<compile_context>
chip_gen: v7x
topology: tpu7x:2x2x1
jax: 0.10.2.dev20260603
libtpu: 0.0.44.dev20260713+nightly
codegen_flags: <defaults>
</compile_context>

<pallas_src>
import functools

import jax
import jax.numpy as jnp
from jax import lax
from jax.experimental import pallas as pl
from jax.experimental.pallas import tpu as pltpu
from jax.experimental.pallas import tpu_sc as plsc

D = 64
B = 16384
NNEG = 20
NC = 2
NS = 16
NW = NC * NS
BPW = B // NW
CHUNK = 256
UGRP = 16


def _sc_gather_u(u_weight, pos_u):
    mesh = plsc.VectorSubcoreMesh(core_axis_name="c", subcore_axis_name="s")

    @functools.partial(
        pl.kernel,
        out_type=jax.ShapeDtypeStruct((B, D), jnp.float32),
        mesh=mesh,
        compiler_params=pltpu.CompilerParams(use_tc_tiling_on_sc=True),
        scratch_types=[
            pltpu.VMEM((BPW,), jnp.int32),
            pltpu.VMEM((BPW, D), jnp.float32),
            pltpu.SemaphoreType.DMA,
            pltpu.SemaphoreType.DMA,
        ],
    )
    def gather_u_kernel(u_hbm, pu_hbm, eu_hbm, idx_v, rows_v, sem_i, sem_r):
        wid = lax.axis_index("s") * NC + lax.axis_index("c")
        base = wid * BPW
        pltpu.async_copy(pu_hbm.at[pl.ds(base, BPW)], idx_v, sem_i).wait()

        @pl.loop(0, BPW, step=16)
        def _(j):
            v16 = idx_v[pl.ds(j, 16)]
            for k in range(16):
                pltpu.async_copy(u_hbm.at[pl.ds(v16[k], 1)],
                                 rows_v.at[pl.ds(j + k, 1)], sem_r)

        pltpu.make_async_copy(u_hbm.at[pl.ds(0, BPW)], rows_v, sem_r).wait()
        pltpu.sync_copy(rows_v, eu_hbm.at[pl.ds(base, BPW)])

    return gather_u_kernel(u_weight, pos_u)


def _sc_gather_v(v_weight, pos_v, neg_v_flat):
    mesh = plsc.VectorSubcoreMesh(core_axis_name="c", subcore_axis_name="s")

    @functools.partial(
        pl.kernel,
        out_type=[
            jax.ShapeDtypeStruct((B, D), jnp.float32),
            jax.ShapeDtypeStruct((B * NNEG, D), jnp.float32),
        ],
        mesh=mesh,
        compiler_params=pltpu.CompilerParams(use_tc_tiling_on_sc=True),
        scratch_types=[
            pltpu.VMEM((CHUNK,), jnp.int32),
            pltpu.VMEM((CHUNK, D), jnp.float32),
            pltpu.SemaphoreType.DMA,
            pltpu.SemaphoreType.DMA,
        ],
    )
    def gather_v_kernel(v_hbm, pv_hbm, nv_hbm, ev_hbm, en_hbm,
                        idx_v, rows_v, sem_i, sem_r):
        wid = lax.axis_index("s") * NC + lax.axis_index("c")

        def stream(idx_hbm, out_hbm, base, nrows):
            @pl.loop(0, nrows // CHUNK)
            def _(i):
                off = base + i * CHUNK
                pltpu.async_copy(idx_hbm.at[pl.ds(off, CHUNK)], idx_v,
                                 sem_i).wait()

                @pl.loop(0, CHUNK, step=16)
                def _(j):
                    v16 = idx_v[pl.ds(j, 16)]
                    for k in range(16):
                        pltpu.async_copy(v_hbm.at[pl.ds(v16[k], 1)],
                                         rows_v.at[pl.ds(j + k, 1)], sem_r)

                pltpu.make_async_copy(
                    v_hbm.at[pl.ds(0, CHUNK)], rows_v, sem_r).wait()
                pltpu.sync_copy(rows_v, out_hbm.at[pl.ds(off, CHUNK)])

        stream(pv_hbm, ev_hbm, wid * BPW, BPW)
        stream(nv_hbm, en_hbm, wid * BPW * NNEG, BPW * NNEG)

    return gather_v_kernel(v_weight, pos_v, neg_v_flat)


_TC_BLK = 1024
_NBLK = B // _TC_BLK


def _tc_body(eu_ref, ev_ref, en_ref, out_ref):
    u = eu_ref[...]
    v = ev_ref[...]
    neg = en_ref[...]

    LOG2E = 1.4426950408889634
    LN2 = 0.6931471805599453

    def nlogsig(sx):
        return jnp.log2(1.0 + jnp.exp2(sx * LOG2E)) * LN2

    ones = jnp.ones((D, 128), jnp.float32)
    prod3 = neg.reshape(_TC_BLK, NNEG, D) * u[:, None, :]
    pos_score = jax.lax.dot(u * v, ones)[:, :1]
    neg_score = jax.lax.dot(prod3.reshape(_TC_BLK * NNEG, D), ones)[:, :1]
    total = jnp.sum(nlogsig(-pos_score)) + jnp.sum(nlogsig(neg_score))
    out_ref[...] = jnp.full((1, 1, 128), total, jnp.float32)


def _tc_loss(emb_u, emb_v, neg_rows):
    partials = pl.pallas_call(
        _tc_body,
        grid=(_NBLK,),
        in_specs=[
            pl.BlockSpec((_TC_BLK, D), lambda i: (i, 0)),
            pl.BlockSpec((_TC_BLK, D), lambda i: (i, 0)),
            pl.BlockSpec((_TC_BLK * NNEG, D), lambda i: (i, 0)),
        ],
        out_specs=pl.BlockSpec((1, 1, 128), lambda i: (i, 0, 0)),
        out_shape=jax.ShapeDtypeStruct((_NBLK, 1, 128), jnp.float32),
        compiler_params=pltpu.CompilerParams(
            dimension_semantics=("parallel",)),
    )(emb_u, emb_v, neg_rows)
    return jnp.sum(partials[:, 0, 0])


def kernel(u_weight, v_weight, pos_u, pos_v, neg_v):
    neg_flat = neg_v.reshape(B * NNEG)
    emb_u = _sc_gather_u(u_weight, pos_u.astype(jnp.int32))
    emb_v, neg_rows = _sc_gather_v(
        v_weight, pos_v.astype(jnp.int32), neg_flat.astype(jnp.int32))
    return _tc_loss(emb_u, emb_v, neg_rows)

# --- scband reference (transcript-rebuilt; emitter-appended) ---
"""Pipeline reference for scband-word2vec-54099408060902 (READ-ONLY COPY).

The authoritative reference and input builder live on the scoring server;
editing this copy changes nothing except your own understanding.
"""

import jax, jax.numpy as jnp
import numpy as np

WORD_SIZE = 1000000
EMB_DIM = 64
BATCH = 16384
N_NEG = 20


def setup_inputs(seed: int = 0) -> dict:
    key = jax.random.key(seed)
    k1, k2, k3, k4 = jax.random.split(key, 4)
    initrange = 0.5 / EMB_DIM
    u_weight = jax.random.uniform(k1, (WORD_SIZE, EMB_DIM), dtype=jnp.float32, minval=-initrange, maxval=initrange)
    v_weight = jnp.zeros((WORD_SIZE, EMB_DIM), dtype=jnp.float32)
    pos_u = jax.random.randint(k2, (BATCH,), 0, WORD_SIZE, dtype=jnp.int64) if jax.config.jax_enable_x64 else jax.random.randint(k2, (BATCH,), 0, WORD_SIZE).astype(jnp.int32)
    pos_v = jax.random.randint(k3, (BATCH,), 0, WORD_SIZE).astype(pos_u.dtype)
    neg_v = jax.random.randint(k4, (BATCH, N_NEG), 0, WORD_SIZE).astype(pos_u.dtype)
    return {"u_weight": u_weight, "v_weight": v_weight, "pos_u": pos_u, "pos_v": pos_v, "neg_v": neg_v}


def reference(u_weight, v_weight, pos_u, pos_v, neg_v):
    # emb_u = self.u_embeddings(pos_u)  -> gather
    emb_u = jnp.take(u_weight, pos_u, axis=0)          # [B, D]
    # emb_v = self.v_embeddings(pos_v)
    emb_v = jnp.take(v_weight, pos_v, axis=0)          # [B, D]
    # score = sum(emb_u * emb_v, dim=1); logsigmoid
    score = jnp.sum(emb_u * emb_v, axis=1)             # [B]
    score = jax.nn.log_sigmoid(score)
    # neg_emb_v = self.v_embeddings(neg_v)
    neg_emb_v = jnp.take(v_weight, neg_v, axis=0)      # [B, N, D]
    # neg_score = bmm(neg_emb_v, emb_u.unsqueeze(2)).squeeze()
    neg_score = jnp.einsum('bnd,bd->bn', neg_emb_v, emb_u)  # [B, N]
    neg_score = jax.nn.log_sigmoid(-1.0 * neg_score)
    return -1.0 * (jnp.sum(score) + jnp.sum(neg_score))

if __name__ == "__main__":
    import jax
    _d = setup_inputs()
    print(jax.jit(kernel)(*tuple(_d.values())))

</pallas_src>

<mosaic_0001>
#map = affine_map<(d0, d1) -> (0, 0)>
#map1 = affine_map<(d0, d1) -> (0)>
module attributes {stable_mosaic.version = 14 : i64} {
  func.func @gather_u_kernel(%arg0: i32, %arg1: i32, %arg2: memref<1000000x64xf32, #tpu.memory_space<hbm>>, %arg3: memref<16384xi32, #tpu.memory_space<hbm>>, %arg4: memref<16384x64xf32, #tpu.memory_space<hbm>>, %arg5: memref<512xi32, #tpu.memory_space<vmem>>, %arg6: memref<512x64xf32, #tpu.memory_space<vmem>>, %arg7: memref<!tpu.dma_semaphore, #tpu.memory_space<semaphore_mem>>, %arg8: memref<!tpu.dma_semaphore, #tpu.memory_space<semaphore_mem>>) attributes {dimension_semantics = [#tpu.dimension_semantics<core_parallel>, #tpu.dimension_semantics<subcore_parallel>], iteration_bounds = array<i64: 2, 16>, scalar_prefetch = 0 : i64, scratch_operands = 4 : i64, tpu.core_type = #tpu.core_type<sc_vector_subcore>, window_params = [{transform_indices = #map}, {transform_indices = #map1}, {transform_indices = #map}]} {
    %mul3A = arith.constant 2 : i32
    %mul3A_0 = arith.muli %arg1, %mul3A : i32
    %add3A = arith.addi %mul3A_0, %arg0 : i32
    %mul3A_1 = arith.constant 512 : i32
    %mul3A_2 = arith.muli %add3A, %mul3A_1 : i32
    %dma_start3A = tpu.memref_slice %arg3[%mul3A_2] : memref<16384xi32, #tpu.memory_space<hbm>> -> memref<512xi32, #tpu.memory_space<hbm>>
    %dma_start3A_3 = tpu.memref_slice %arg3[%mul3A_2] : memref<16384xi32, #tpu.memory_space<hbm>> -> memref<512xi32, #tpu.memory_space<hbm>>
    tpu.enqueue_dma source(%dma_start3A_3 : memref<512xi32, #tpu.memory_space<hbm>>) target(%arg5 : memref<512xi32, #tpu.memory_space<vmem>>) target_semaphore(%arg7 : memref<!tpu.dma_semaphore, #tpu.memory_space<semaphore_mem>>)
    %dma_wait3A = tpu.memref_slice %arg3[%mul3A_2] : memref<16384xi32, #tpu.memory_space<hbm>> -> memref<512xi32, #tpu.memory_space<hbm>>
    %dma_wait3A_4 = tpu.memref_slice %arg3[%mul3A_2] : memref<16384xi32, #tpu.memory_space<hbm>> -> memref<512xi32, #tpu.memory_space<hbm>>
    tpu.wait_dma2 semaphore(%arg7 : memref<!tpu.dma_semaphore, #tpu.memory_space<semaphore_mem>>) src(%dma_wait3A_4 : memref<512xi32, #tpu.memory_space<hbm>>) dst(%arg5 : memref<512xi32, #tpu.memory_space<vmem>>)
    %scan3A = arith.constant 0 : i32
    %scan3A_5 = arith.constant 32 : i32
    %scan3A_6 = arith.addi %scan3A, %scan3A_5 : i32
    %scan3A_7 = arith.constant 1 : i32
    scf.for %scan3A_15 = %scan3A to %scan3A_6 step %scan3A_7  : i32 {
      %mul3A_16 = arith.constant 16 : i32
      %mul3A_17 = arith.muli %scan3A_15, %mul3A_16 : i32
      %add3A_18 = arith.constant 0 : i32
      %add3A_19 = arith.addi %add3A_18, %mul3A_17 : i32
      %get3A = arith.index_cast %add3A_19 : i32 to index
      %get3A_20 = tpu.vector_load %arg5[%get3A] {strides = array<i32>} : memref<512xi32, #tpu.memory_space<vmem>>, vector<16xi32>,
      %get3A_21 = vector.shape_cast %get3A_20 : vector<16xi32> to vector<16xi32>
      %slice3A = vector.extract_strided_slice %get3A_21 {offsets = [0], sizes = [1], strides = [1]} : vector<16xi32> to vector<1xi32>
      %squeeze3A = vector.extract %slice3A[0] : i32 from vector<1xi32>
      %add3A_22 = arith.constant 0 : i32
      %add3A_23 = arith.addi %add3A_19, %add3A_22 : i32
      %dma_start3A_24 = arith.constant 0 : i32
      %dma_start3A_25 = tpu.memref_slice %arg6[%add3A_23, %dma_start3A_24] : memref<512x64xf32, #tpu.memory_space<vmem>> -> memref<1x64xf32, #tpu.memory_space<vmem>>
      %dma_start3A_26 = arith.constant 0 : i32
      %dma_start3A_27 = tpu.memref_slice %arg2[%squeeze3A, %dma_start3A_26] : memref<1000000x64xf32, #tpu.memory_space<hbm>> -> memref<1x64xf32, #tpu.memory_space<hbm>>
      %dma_start3A_28 = arith.constant 0 : i32
      %dma_start3A_29 = tpu.memref_slice %arg6[%add3A_23, %dma_start3A_28] : memref<512x64xf32, #tpu.memory_space<vmem>> -> memref<1x64xf32, #tpu.memory_space<vmem>>
      %dma_start3A_30 = arith.constant 0 : i32
      %dma_start3A_31 = tpu.memref_slice %arg2[%squeeze3A, %dma_start3A_30] : memref<1000000x64xf32, #tpu.memory_space<hbm>> -> memref<1x64xf32, #tpu.memory_space<hbm>>
      tpu.enqueue_dma source(%dma_start3A_31 : memref<1x64xf32, #tpu.memory_space<hbm>>) target(%dma_start3A_29 : memref<1x64xf32, #tpu.memory_space<vmem>>) target_semaphore(%arg8 : memref<!tpu.dma_semaphore, #tpu.memory_space<semaphore_mem>>)
      %slice3A_32 = vector.extract_strided_slice %get3A_21 {offsets = [1], sizes = [1], strides = [1]} : vector<16xi32> to vector<1xi32>
      %squeeze3A_33 = vector.extract %slice3A_32[0] : i32 from vector<1xi32>
      %add3A_34 = arith.constant 1 : i32
      %add3A_35 = arith.addi %add3A_19, %add3A_34 : i32
      %dma_start3A_36 = arith.constant 0 : i32
      %dma_start3A_37 = tpu.memref_slice %arg6[%add3A_35, %dma_start3A_36] : memref<512x64xf32, #tpu.memory_space<vmem>> -> memref<1x64xf32, #tpu.memory_space<vmem>>
      %dma_start3A_38 = arith.constant 0 : i32
      %dma_start3A_39 = tpu.memref_slice %arg2[%squeeze3A_33, %dma_start3A_38] : memref<1000000x64xf32, #tpu.memory_space<hbm>> -> memref<1x64xf32, #tpu.memory_space<hbm>>
      %dma_start3A_40 = arith.constant 0 : i32
      %dma_start3A_41 = tpu.memref_slice %arg6[%add3A_35, %dma_start3A_40] : memref<512x64xf32, #tpu.memory_space<vmem>> -> memref<1x64xf32, #tpu.memory_space<vmem>>
      %dma_start3A_42 = arith.constant 0 : i32
      %dma_start3A_43 = tpu.memref_slice %arg2[%squeeze3A_33, %dma_start3A_42] : memref<1000000x64xf32, #tpu.memory_space<hbm>> -> memref<1x64xf32, #tpu.memory_space<hbm>>
      tpu.enqueue_dma source(%dma_start3A_43 : memref<1x64xf32, #tpu.memory_space<hbm>>) target(%dma_start3A_41 : memref<1x64xf32, #tpu.memory_space<vmem>>) target_semaphore(%arg8 : memref<!tpu.dma_semaphore, #tpu.memory_space<semaphore_mem>>)
      %slice3A_44 = vector.extract_strided_slice %get3A_21 {offsets = [2], sizes = [1], strides = [1]} : vector<16xi32> to vector<1xi32>
      %squeeze3A_45 = vector.extract %slice3A_44[0] : i32 from vector<1xi32>
      %add3A_46 = arith.constant 2 : i32
      %add3A_47 = arith.addi %add3A_19, %add3A_46 : i32
      %dma_start3A_48 = arith.constant 0 : i32
      %dma_start3A_49 = tpu.memref_slice %arg6[%add3A_47, %dma_start3A_48] : memref<512x64xf32, #tpu.memory_space<vmem>> -> memref<1x64xf32, #tpu.memory_space<vmem>>
      %dma_start3A_50 = arith.constant 0 : i32
      %dma_start3A_51 = tpu.memref_slice %arg2[%squeeze3A_45, %dma_start3A_50] : memref<1000000x64xf32, #tpu.memory_space<hbm>> -> memref<1x64xf32, #tpu.memory_space<hbm>>
      %dma_start3A_52 = arith.constant 0 : i32
      %dma_start3A_53 = tpu.memref_slice %arg6[%add3A_47, %dma_start3A_52] : memref<512x64xf32, #tpu.memory_space<vmem>> -> memref<1x64xf32, #tpu.memory_space<vmem>>
      %dma_start3A_54 = arith.constant 0 : i32
      %dma_start3A_55 = tpu.memref_slice %arg2[%squeeze3A_45, %dma_start3A_54] : memref<1000000x64xf32, #tpu.memory_space<hbm>> -> memref<1x64xf32, #tpu.memory_space<hbm>>
      tpu.enqueue_dma source(%dma_start3A_55 : memref<1x64xf32, #tpu.memory_space<hbm>>) target(%dma_start3A_53 : memref<1x64xf32, #tpu.memory_space<vmem>>) target_semaphore(%arg8 : memref<!tpu.dma_semaphore, #tpu.memory_space<semaphore_mem>>)
      %slice3A_56 = vector.extract_strided_slice %get3A_21 {offsets = [3], sizes = [1], strides = [1]} : vector<16xi32> to vector<1xi32>
      %squeeze3A_57 = vector.extract %slice3A_56[0] : i32 from vector<1xi32>
      %add3A_58 = arith.constant 3 : i32
      %add3A_59 = arith.addi %add3A_19, %add3A_58 : i32
      %dma_start3A_60 = arith.constant 0 : i32
      %dma_start3A_61 = tpu.memref_slice %arg6[%add3A_59, %dma_start3A_60] : memref<512x64xf32, #tpu.memory_space<vmem>> -> memref<1x64xf32, #tpu.memory_space<vmem>>
      %dma_start3A_62 = arith.constant 0 : i32
      %dma_start3A_63 = tpu.memref_slice %arg2[%squeeze3A_57, %dma_start3A_62] : memref<1000000x64xf32, #tpu.memory_space<hbm>> -> memref<1x64xf32, #tpu.memory_space<hbm>>
      %dma_start3A_64 = arith.constant 0 : i32
      %dma_start3A_65 = tpu.memref_slice %arg6[%add3A_59, %dma_start3A_64] : memref<512x64xf32, #tpu.memory_space<vmem>> -> memref<1x64xf32, #tpu.memory_space<vmem>>
      %dma_start3A_66 = arith.constant 0 : i32
      %dma_start3A_67 = tpu.memref_slice %arg2[%squeeze3A_57, %dma_start3A_66] : memref<1000000x64xf32, #tpu.memory_space<hbm>> -> memref<1x64xf32, #tpu.memory_space<hbm>>
      tpu.enqueue_dma source(%dma_start3A_67 : memref<1x64xf32, #tpu.memory_space<hbm>>) target(%dma_start3A_65 : memref<1x64xf32, #tpu.memory_space<vmem>>) target_semaphore(%arg8 : memref<!tpu.dma_semaphore, #tpu.memory_space<semaphore_mem>>)
      %slice3A_68 = vector.extract_strided_slice %get3A_21 {offsets = [4], sizes = [1], strides = [1]} : vector<16xi32> to vector<1xi32>
      %squeeze3A_69 = vector.extract %slice3A_68[0] : i32 from vector<1xi32>
      %add3A_70 = arith.constant 4 : i32
      %add3A_71 = arith.addi %add3A_19, %add3A_70 : i32
      %dma_start3A_72 = arith.constant 0 : i32
      %dma_start3A_73 = tpu.memref_slice %arg6[%add3A_71, %dma_start3A_72] : memref<512x64xf32, #tpu.memory_space<vmem>> -> memref<1x64xf32, #tpu.memory_space<vmem>>
      %dma_start3A_74 = arith.constant 0 : i32
      %dma_start3A_75 = tpu.memref_slice %arg2[%squeeze3A_69, %dma_start3A_74] : memref<1000000x64xf32, #tpu.memory_space<hbm>> -> memref<1x64xf32, #tpu.memory_space<hbm>>
      %dma_start3A_76 = arith.constant 0 : i32
      %dma_start3A_77 = tpu.memref_slice %arg6[%add3A_71, %dma_start3A_76] : memref<512x64xf32, #tpu.memory_space<vmem>> -> memref<1x64xf32, #tpu.memory_space<vmem>>
      %dma_start3A_78 = arith.constant 0 : i32
      %dma_start3A_79 = tpu.memref_slice %arg2[%squeeze3A_69, %dma_start3A_78] : memref<1000000x64xf32, #tpu.memory_space<hbm>> -> memref<1x64xf32, #tpu.memory_space<hbm>>
      tpu.enqueue_dma source(%dma_start3A_79 : memref<1x64xf32, #tpu.memory_space<hbm>>) target(%dma_start3A_77 : memref<1x64xf32, #tpu.memory_space<vmem>>) target_semaphore(%arg8 : memref<!tpu.dma_semaphore, #tpu.memory_space<semaphore_mem>>)
      %slice3A_80 = vector.extract_strided_slice %get3A_21 {offsets = [5], sizes = [1], strides = [1]} : vector<16xi32> to vector<1xi32>
      %squeeze3A_81 = vector.extract %slice3A_80[0] : i32 from vector<1xi32>
      %add3A_82 = arith.constant 5 : i32
      %add3A_83 = arith.addi %add3A_19, %add3A_82 : i32
      %dma_start3A_84 = arith.constant 0 : i32
      %dma_start3A_85 = tpu.memref_slice %arg6[%add3A_83, %dma_start3A_84] : memref<512x64xf32, #tpu.memory_space<vmem>> -> memref<1x64xf32, #tpu.memory_space<vmem>>
      %dma_start3A_86 = arith.constant 0 : i32
      %dma_start3A_87 = tpu.memref_slice %arg2[%squeeze3A_81, %dma_start3A_86] : memref<1000000x64xf32, #tpu.memory_space<hbm>> -> memref<1x64xf32, #tpu.memory_space<hbm>>
      %dma_start3A_88 = arith.constant 0 : i32
      %dma_start3A_89 = tpu.memref_slice %arg6[%add3A_83, %dma_start3A_88] : memref<512x64xf32, #tpu.memory_space<vmem>> -> memref<1x64xf32, #tpu.memory_space<vmem>>
      %dma_start3A_90 = arith.constant 0 : i32
      %dma_start3A_91 = tpu.memref_slice %arg2[%squeeze3A_81, %dma_start3A_90] : memref<1000000x64xf32, #tpu.memory_space<hbm>> -> memref<1x64xf32, #tpu.memory_space<hbm>>
      tpu.enqueue_dma source(%dma_start3A_91 : memref<1x64xf32, #tpu.memory_space<hbm>>) target(%dma_start3A_89 : memref<1x64xf32, #tpu.memory_space<vmem>>) target_semaphore(%arg8 : memref<!tpu.dma_semaphore, #tpu.memory_space<semaphore_mem>>)
      %slice3A_92 = vector.extract_strided_slice %get3A_21 {offsets = [6], sizes = [1], strides = [1]} : vector<16xi32> to vector<1xi32>
      %squeeze3A_93 = vector.extract %slice3A_92[0] : i32 from vector<1xi32>
      %add3A_94 = arith.constant 6 : i32
      %add3A_95 = arith.addi %add3A_19, %add3A_94 : i32
      %dma_start3A_96 = arith.constant 0 : i32
      %dma_start3A_97 = tpu.memref_slice %arg6[%add3A_95, %dma_start3A_96] : memref<512x64xf32, #tpu.memory_space<vmem>> -> memref<1x64xf32, #tpu.memory_space<vmem>>
      %dma_start3A_98 = arith.constant 0 : i32
      %dma_start3A_99 = tpu.memref_slice %arg2[%squeeze3A_93, %dma_start3A_98] : memref<1000000x64xf32, #tpu.memory_space<hbm>> -> memref<1x64xf32, #tpu.memory_space<hbm>>
      %dma_start3A_100 = arith.constant 0 : i32
      %dma_start3A_101 = tpu.memref_slice %arg6[%add3A_95, %dma_start3A_100] : memref<512x64xf32, #tpu.memory_space<vmem>> -> memref<1x64xf32, #tpu.memory_space<vmem>>
      %dma_start3A_102 = arith.constant 0 : i32
      %dma_start3A_103 = tpu.memref_slice %arg2[%squeeze3A_93, %dma_start3A_102] : memref<1000000x64xf32, #tpu.memory_space<hbm>> -> memref<1x64xf32, #tpu.memory_space<hbm>>
      tpu.enqueue_dma source(%dma_start3A_103 : memref<1x64xf32, #tpu.memory_space<hbm>>) target(%dma_start3A_101 : memref<1x64xf32, #tpu.memory_space<vmem>>) target_semaphore(%arg8 : memref<!tpu.dma_semaphore, #tpu.memory_space<semaphore_mem>>)
      %slice3A_104 = vector.extract_strided_slice %get3A_21 {offsets = [7], sizes = [1], strides = [1]} : vector<16xi32> to vector<1xi32>
      %squeeze3A_105 = vector.extract %slice3A_104[0] : i32 from vector<1xi32>
      %add3A_106 = arith.constant 7 : i32
      %add3A_107 = arith.addi %add3A_19, %add3A_106 : i32
      %dma_start3A_108 = arith.constant 0 : i32
      %dma_start3A_109 = tpu.memref_slice %arg6[%add3A_107, %dma_start3A_108] : memref<512x64xf32, #tpu.memory_space<vmem>> -> memref<1x64xf32, #tpu.memory_space<vmem>>
      %dma_start3A_110 = arith.constant 0 : i32
      %dma_start3A_111 = tpu.memref_slice %arg2[%squeeze3A_105, %dma_start3A_110] : memref<1000000x64xf32, #tpu.memory_space<hbm>> -> memref<1x64xf32, #tpu.memory_space<hbm>>
      %dma_start3A_112 = arith.constant 0 : i32
      %dma_start3A_113 = tpu.memref_slice %arg6[%add3A_107, %dma_start3A_112] : memref<512x64xf32, #tpu.memory_space<vmem>> -> memref<1x64xf32, #tpu.memory_space<vmem>>
      %dma_start3A_114 = arith.constant 0 : i32
      %dma_start3A_115 = tpu.memref_slice %arg2[%squeeze3A_105, %dma_start3A_114] : memref<1000000x64xf32, #tpu.memory_space<hbm>> -> memref<1x64xf32, #tpu.memory_space<hbm>>
      tpu.enqueue_dma source(%dma_start3A_115 : memref<1x64xf32, #tpu.memory_space<hbm>>) target(%dma_start3A_113 : memref<1x64xf32, #tpu.memory_space<vmem>>) target_semaphore(%arg8 : memref<!tpu.dma_semaphore, #tpu.memory_space<semaphore_mem>>)
      %slice3A_116 = vector.extract_strided_slice %get3A_21 {offsets = [8], sizes = [1], strides = [1]} : vector<16xi32> to vector<1xi32>
      %squeeze3A_117 = vector.extract %slice3A_116[0] : i32 from vector<1xi32>
      %add3A_118 = arith.constant 8 : i32
      %add3A_119 = arith.addi %add3A_19, %add3A_118 : i32
      %dma_start3A_120 = arith.constant 0 : i32
      %dma_start3A_121 = tpu.memref_slice %arg6[%add3A_119, %dma_start3A_120] : memref<512x64xf32, #tpu.memory_space<vmem>> -> memref<1x64xf32, #tpu.memory_space<vmem>>
      %dma_start3A_122 = arith.constant 0 : i32
      %dma_start3A_123 = tpu.memref_slice %arg2[%squeeze3A_117, %dma_start3A_122] : memref<1000000x64xf32, #tpu.memory_space<hbm>> -> memref<1x64xf32, #tpu.memory_space<hbm>>
      %dma_start3A_124 = arith.constant 0 : i32
      %dma_start3A_125 = tpu.memref_slice %arg6[%add3A_119, %dma_start3A_124] : memref<512x64xf32, #tpu.memory_space<vmem>> -> memref<1x64xf32, #tpu.memory_space<vmem>>
      %dma_start3A_126 = arith.constant 0 : i32
      %dma_start3A_127 = tpu.memref_slice %arg2[%squeeze3A_117, %dma_start3A_126] : memref<1000000x64xf32, #tpu.memory_space<hbm>> -> memref<1x64xf32, #tpu.memory_space<hbm>>
      tpu.enqueue_dma source(%dma_start3A_127 : memref<1x64xf32, #tpu.memory_space<hbm>>) target(%dma_start3A_125 : memref<1x64xf32, #tpu.memory_space<vmem>>) target_semaphore(%arg8 : memref<!tpu.dma_semaphore, #tpu.memory_space<semaphore_mem>>)
      %slice3A_128 = vector.extract_strided_slice %get3A_21 {offsets = [9], sizes = [1], strides = [1]} : vector<16xi32> to vector<1xi32>
      %squeeze3A_129 = vector.extract %slice3A_128[0] : i32 from vector<1xi32>
      %add3A_130 = arith.constant 9 : i32
      %add3A_131 = arith.addi %add3A_19, %add3A_130 : i32
      %dma_start3A_132 = arith.constant 0 : i32
      %dma_start3A_133 = tpu.memref_slice %arg6[%add3A_131, %dma_start3A_132] : memref<512x64xf32, #tpu.memory_space<vmem>> -> memref<1x64xf32, #tpu.memory_space<vmem>>
      %dma_start3A_134 = arith.constant 0 : i32
      %dma_start3A_135 = tpu.memref_slice %arg2[%squeeze3A_129, %dma_start3A_134] : memref<1000000x64xf32, #tpu.memory_space<hbm>> -> memref<1x64xf32, #tpu.memory_space<hbm>>
      %dma_start3A_136 = arith.constant 0 : i32
      %dma_start3A_137 = tpu.memref_slice %arg6[%add3A_131, %dma_start3A_136] : memref<512x64xf32, #tpu.memory_space<vmem>> -> memref<1x64xf32, #tpu.memory_space<vmem>>
      %dma_start3A_138 = arith.constant 0 : i32
      %dma_start3A_139 = tpu.memref_slice %arg2[%squeeze3A_129, %dma_start3A_138] : memref<1000000x64xf32, #tpu.memory_space<hbm>> -> memref<1x64xf32, #tpu.memory_space<hbm>>
      tpu.enqueue_dma source(%dma_start3A_139 : memref<1x64xf32, #tpu.memory_space<hbm>>) target(%dma_start3A_137 : memref<1x64xf32, #tpu.memory_space<vmem>>) target_semaphore(%arg8 : memref<!tpu.dma_semaphore, #tpu.memory_space<semaphore_mem>>)
      %slice3A_140 = vector.extract_strided_slice %get3A_21 {offsets = [10], sizes = [1], strides = [1]} : vector<16xi32> to vector<1xi32>
      %squeeze3A_141 = vector.extract %slice3A_140[0] : i32 from vector<1xi32>
      %add3A_142 = arith.constant 10 : i32
      %add3A_143 = arith.addi %add3A_19, %add3A_142 : i32
      %dma_start3A_144 = arith.constant 0 : i32
      %dma_start3A_145 = tpu.memref_slice %arg6[%add3A_143, %dma_start3A_144] : memref<512x64xf32, #tpu.memory_space<vmem>> -> memref<1x64xf32, #tpu.memory_space<vmem>>
      %dma_start3A_146 = arith.constant 0 : i32
      %dma_start3A_147 = tpu.memref_slice %arg2[%squeeze3A_141, %dma_start3A_146] : memref<1000000x64xf32, #tpu.memory_space<hbm>> -> memref<1x64xf32, #tpu.memory_space<hbm>>
      %dma_start3A_148 = arith.constant 0 : i32
      %dma_start3A_149 = tpu.memref_slice %arg6[%add3A_143, %dma_start3A_148] : memref<512x64xf32, #tpu.memory_space<vmem>> -> memref<1x64xf32, #tpu.memory_space<vmem>>
      %dma_start3A_150 = arith.constant 0 : i32
      %dma_start3A_151 = tpu.memref_slice %arg2[%squeeze3A_141, %dma_start3A_150] : memref<1000000x64xf32, #tpu.memory_space<hbm>> -> memref<1x64xf32, #tpu.memory_space<hbm>>
      tpu.enqueue_dma source(%dma_start3A_151 : memref<1x64xf32, #tpu.memory_space<hbm>>) target(%dma_start3A_149 : memref<1x64xf32, #tpu.memory_space<vmem>>) target_semaphore(%arg8 : memref<!tpu.dma_semaphore, #tpu.memory_space<semaphore_mem>>)
      %slice3A_152 = vector.extract_strided_slice %get3A_21 {offsets = [11], sizes = [1], strides = [1]} : vector<16xi32> to vector<1xi32>
      %squeeze3A_153 = vector.extract %slice3A_152[0] : i32 from vector<1xi32>
      %add3A_154 = arith.constant 11 : i32
      %add3A_155 = arith.addi %add3A_19, %add3A_154 : i32
      %dma_start3A_156 = arith.constant 0 : i32
      %dma_start3A_157 = tpu.memref_slice %arg6[%add3A_155, %dma_start3A_156] : memref<512x64xf32, #tpu.memory_space<vmem>> -> memref<1x64xf32, #tpu.memory_space<vmem>>
      %dma_start3A_158 = arith.constant 0 : i32
      %dma_start3A_159 = tpu.memref_slice %arg2[%squeeze3A_153, %dma_start3A_158] : memref<1000000x64xf32, #tpu.memory_space<hbm>> -> memref<1x64xf32, #tpu.memory_space<hbm>>
      %dma_start3A_160 = arith.constant 0 : i32
      %dma_start3A_161 = tpu.memref_slice %arg6[%add3A_155, %dma_start3A_160] : memref<512x64xf32, #tpu.memory_space<vmem>> -> memref<1x64xf32, #tpu.memory_space<vmem>>
      %dma_start3A_162 = arith.constant 0 : i32
      %dma_start3A_163 = tpu.memref_slice %arg2[%squeeze3A_153, %dma_start3A_162] : memref<1000000x64xf32, #tpu.memory_space<hbm>> -> memref<1x64xf32, #tpu.memory_space<hbm>>
      tpu.enqueue_dma source(%dma_start3A_163 : memref<1x64xf32, #tpu.memory_space<hbm>>) target(%dma_start3A_161 : memref<1x64xf32, #tpu.memory_space<vmem>>) target_semaphore(%arg8 : memref<!tpu.dma_semaphore, #tpu.memory_space<semaphore_mem>>)
      %slice3A_164 = vector.extract_strided_slice %get3A_21 {offsets = [12], sizes = [1], strides = [1]} : vector<16xi32> to vector<1xi32>
      %squeeze3A_165 = vector.extract %slice3A_164[0] : i32 from vector<1xi32>
      %add3A_166 = arith.constant 12 : i32
      %add3A_167 = arith.addi %add3A_19, %add3A_166 : i32
      %dma_start3A_168 = arith.constant 0 : i32
      %dma_start3A_169 = tpu.memref_slice %arg6[%add3A_167, %dma_start3A_168] : memref<512x64xf32, #tpu.memory_space<vmem>> -> memref<1x64xf32, #tpu.memory_space<vmem>>
      %dma_start3A_170 = arith.constant 0 : i32
      %dma_start3A_171 = tpu.memref_slice %arg2[%squeeze3A_165, %dma_start3A_170] : memref<1000000x64xf32, #tpu.memory_space<hbm>> -> memref<1x64xf32, #tpu.memory_space<hbm>>
      %dma_start3A_172 = arith.constant 0 : i32
      %dma_start3A_173 = tpu.memref_slice %arg6[%add3A_167, %dma_start3A_172] : memref<512x64xf32, #tpu.memory_space<vmem>> -> memref<1x64xf32, #tpu.memory_space<vmem>>
      %dma_start3A_174 = arith.constant 0 : i32
      %dma_start3A_175 = tpu.memref_slice %arg2[%squeeze3A_165, %dma_start3A_174] : memref<1000000x64xf32, #tpu.memory_space<hbm>> -> memref<1x64xf32, #tpu.memory_space<hbm>>
      tpu.enqueue_dma source(%dma_start3A_175 : memref<1x64xf32, #tpu.memory_space<hbm>>) target(%dma_start3A_173 : memref<1x64xf32, #tpu.memory_space<vmem>>) target_semaphore(%arg8 : memref<!tpu.dma_semaphore, #tpu.memory_space<semaphore_mem>>)
      %slice3A_176 = vector.extract_strided_slice %get3A_21 {offsets = [13], sizes = [1], strides = [1]} : vector<16xi32> to vector<1xi32>
      %squeeze3A_177 = vector.extract %slice3A_176[0] : i32 from vector<1xi32>
      %add3A_178 = arith.constant 13 : i32
      %add3A_179 = arith.addi %add3A_19, %add3A_178 : i32
      %dma_start3A_180 = arith.constant 0 : i32
      %dma_start3A_181 = tpu.memref_slice %arg6[%add3A_179, %dma_start3A_180] : memref<512x64xf32, #tpu.memory_space<vmem>> -> memref<1x64xf32, #tpu.memory_space<vmem>>
      %dma_start3A_182 = arith.constant 0 : i32
      %dma_start3A_183 = tpu.memref_slice %arg2[%squeeze3A_177, %dma_start3A_182] : memref<1000000x64xf32, #tpu.memory_space<hbm>> -> memref<1x64xf32, #tpu.memory_space<hbm>>
      %dma_start3A_184 = arith.constant 0 : i32
      %dma_start3A_185 = tpu.memref_slice %arg6[%add3A_179, %dma_start3A_184] : memref<512x64xf32, #tpu.memory_space<vmem>> -> memref<1x64xf32, #tpu.memory_space<vmem>>
      %dma_start3A_186 = arith.constant 0 : i32
      %dma_start3A_187 = tpu.memref_slice %arg2[%squeeze3A_177, %dma_start3A_186] : memref<1000000x64xf32, #tpu.memory_space<hbm>> -> memref<1x64xf32, #tpu.memory_space<hbm>>
      tpu.enqueue_dma source(%dma_start3A_187 : memref<1x64xf32, #tpu.memory_space<hbm>>) target(%dma_start3A_185 : memref<1x64xf32, #tpu.memory_space<vmem>>) target_semaphore(%arg8 : memref<!tpu.dma_semaphore, #tpu.memory_space<semaphore_mem>>)
      %slice3A_188 = vector.extract_strided_slice %get3A_21 {offsets = [14], sizes = [1], strides = [1]} : vector<16xi32> to vector<1xi32>
      %squeeze3A_189 = vector.extract %slice3A_188[0] : i32 from vector<1xi32>
      %add3A_190 = arith.constant 14 : i32
      %add3A_191 = arith.addi %add3A_19, %add3A_190 : i32
      %dma_start3A_192 = arith.constant 0 : i32
      %dma_start3A_193 = tpu.memref_slice %arg6[%add3A_191, %dma_start3A_192] : memref<512x64xf32, #tpu.memory_space<vmem>> -> memref<1x64xf32, #tpu.memory_space<vmem>>
      %dma_start3A_194 = arith.constant 0 : i32
      %dma_start3A_195 = tpu.memref_slice %arg2[%squeeze3A_189, %dma_start3A_194] : memref<1000000x64xf32, #tpu.memory_space<hbm>> -> memref<1x64xf32, #tpu.memory_space<hbm>>
      %dma_start3A_196 = arith.constant 0 : i32
      %dma_start3A_197 = tpu.memref_slice %arg6[%add3A_191, %dma_start3A_196] : memref<512x64xf32, #tpu.memory_space<vmem>> -> memref<1x64xf32, #tpu.memory_space<vmem>>
      %dma_start3A_198 = arith.constant 0 : i32
      %dma_start3A_199 = tpu.memref_slice %arg2[%squeeze3A_189, %dma_start3A_198] : memref<1000000x64xf32, #tpu.memory_space<hbm>> -> memref<1x64xf32, #tpu.memory_space<hbm>>
      tpu.enqueue_dma source(%dma_start3A_199 : memref<1x64xf32, #tpu.memory_space<hbm>>) target(%dma_start3A_197 : memref<1x64xf32, #tpu.memory_space<vmem>>) target_semaphore(%arg8 : memref<!tpu.dma_semaphore, #tpu.memory_space<semaphore_mem>>)
      %slice3A_200 = vector.extract_strided_slice %get3A_21 {offsets = [15], sizes = [1], strides = [1]} : vector<16xi32> to vector<1xi32>
      %squeeze3A_201 = vector.extract %slice3A_200[0] : i32 from vector<1xi32>
      %add3A_202 = arith.constant 15 : i32
      %add3A_203 = arith.addi %add3A_19, %add3A_202 : i32
      %dma_start3A_204 = arith.constant 0 : i32
      %dma_start3A_205 = tpu.memref_slice %arg6[%add3A_203, %dma_start3A_204] : memref<512x64xf32, #tpu.memory_space<vmem>> -> memref<1x64xf32, #tpu.memory_space<vmem>>
      %dma_start3A_206 = arith.constant 0 : i32
      %dma_start3A_207 = tpu.memref_slice %arg2[%squeeze3A_201, %dma_start3A_206] : memref<1000000x64xf32, #tpu.memory_space<hbm>> -> memref<1x64xf32, #tpu.memory_space<hbm>>
      %dma_start3A_208 = arith.constant 0 : i32
      %dma_start3A_209 = tpu.memref_slice %arg6[%add3A_203, %dma_start3A_208] : memref<512x64xf32, #tpu.memory_space<vmem>> -> memref<1x64xf32, #tpu.memory_space<vmem>>
      %dma_start3A_210 = arith.constant 0 : i32
      %dma_start3A_211 = tpu.memref_slice %arg2[%squeeze3A_201, %dma_start3A_210] : memref<1000000x64xf32, #tpu.memory_space<hbm>> -> memref<1x64xf32, #tpu.memory_space<hbm>>
      tpu.enqueue_dma source(%dma_start3A_211 : memref<1x64xf32, #tpu.memory_space<hbm>>) target(%dma_start3A_209 : memref<1x64xf32, #tpu.memory_space<vmem>>) target_semaphore(%arg8 : memref<!tpu.dma_semaphore, #tpu.memory_space<semaphore_mem>>)
    }
    %scan3A_8 = arith.constant 32 : i32
    %dma_wait3A_9 = arith.constant 0 : i32
    %dma_wait3A_10 = arith.constant 0 : i32
    %dma_wait3A_11 = tpu.memref_slice %arg2[%dma_wait3A_9, %dma_wait3A_10] : memref<1000000x64xf32, #tpu.memory_space<hbm>> -> memref<512x64xf32, #tpu.memory_space<hbm>>
    %dma_wait3A_12 = arith.constant 0 : i32
    %dma_wait3A_13 = arith.constant 0 : i32
    %dma_wait3A_14 = tpu.memref_slice %arg2[%dma_wait3A_12, %dma_wait3A_13] : memref<1000000x64xf32, #tpu.memory_space<hbm>> -> memref<512x64xf32, #tpu.memory_space<hbm>>
    tpu.wait_dma2 semaphore(%arg8 : memref<!tpu.dma_semaphore, #tpu.memory_space<semaphore_mem>>) src(%dma_wait3A_14 : memref<512x64xf32, #tpu.memory_space<hbm>>) dst(%arg6 : memref<512x64xf32, #tpu.memory_space<vmem>>)
    "tpu.region"() ({
      %run_scoped3A = tpu.sem_alloc : memref<!tpu.dma_semaphore, #tpu.memory_space<semaphore_mem>>
      %dma_start3A_15 = arith.constant 0 : i32
      %dma_start3A_16 = tpu.memref_slice %arg4[%mul3A_2, %dma_start3A_15] : memref<16384x64xf32, #tpu.memory_space<hbm>> -> memref<512x64xf32, #tpu.memory_space<hbm>>
      %dma_start3A_17 = arith.constant 0 : i32
      %dma_start3A_18 = tpu.memref_slice %arg4[%mul3A_2, %dma_start3A_17] : memref<16384x64xf32, #tpu.memory_space<hbm>> -> memref<512x64xf32, #tpu.memory_space<hbm>>
      tpu.enqueue_dma source(%arg6 : memref<512x64xf32, #tpu.memory_space<vmem>>) target(%dma_start3A_18 : memref<512x64xf32, #tpu.memory_space<hbm>>) target_semaphore(%run_scoped3A : memref<!tpu.dma_semaphore, #tpu.memory_space<semaphore_mem>>)
      %dma_wait3A_19 = arith.constant 0 : i32
      %dma_wait3A_20 = tpu.memref_slice %arg4[%mul3A_2, %dma_wait3A_19] : memref<16384x64xf32, #tpu.memory_space<hbm>> -> memref<512x64xf32, #tpu.memory_space<hbm>>
      %dma_wait3A_21 = arith.constant 0 : i32
      %dma_wait3A_22 = tpu.memref_slice %arg4[%mul3A_2, %dma_wait3A_21] : memref<16384x64xf32, #tpu.memory_space<hbm>> -> memref<512x64xf32, #tpu.memory_space<hbm>>
      tpu.wait_dma2 semaphore(%run_scoped3A : memref<!tpu.dma_semaphore, #tpu.memory_space<semaphore_mem>>) src(%arg6 : memref<512x64xf32, #tpu.memory_space<vmem>>) dst(%dma_wait3A_22 : memref<512x64xf32, #tpu.memory_space<hbm>>)
      tpu.yield
    }) : () -> ()
    return
  }
}

#map = affine_map<(d0, d1) -> (0, 0)>
#map1 = affine_map<(d0, d1) -> (0)>
module attributes {stable_mosaic.version = 14 : i64} {
  func.func @gather_v_kernel(%arg0: i32, %arg1: i32, %arg2: memref<1000000x64xf32, #tpu.memory_space<hbm>>, %arg3: memref<16384xi32, #tpu.memory_space<hbm>>, %arg4: memref<327680xi32, #tpu.memory_space<hbm>>, %arg5: memref<16384x64xf32, #tpu.memory_space<hbm>>, %arg6: memref<327680x64xf32, #tpu.memory_space<hbm>>, %arg7: memref<256xi32, #tpu.memory_space<vmem>>, %arg8: memref<256x64xf32, #tpu.memory_space<vmem>>, %arg9: memref<!tpu.dma_semaphore, #tpu.memory_space<semaphore_mem>>, %arg10: memref<!tpu.dma_semaphore, #tpu.memory_space<semaphore_mem>>) attributes {dimension_semantics = [#tpu.dimension_semantics<core_parallel>, #tpu.dimension_semantics<subcore_parallel>], iteration_bounds = array<i64: 2, 16>, scalar_prefetch = 0 : i64, scratch_operands = 4 : i64, tpu.core_type = #tpu.core_type<sc_vector_subcore>, window_params = [{transform_indices = #map}, {transform_indices = #map1}, {transform_indices = #map1}, {transform_indices = #map}, {transform_indices = #map}]} {
    %mul3A = arith.constant 2 : i32
    %mul3A_0 = arith.muli %arg1, %mul3A : i32
    %add3A = arith.addi %mul3A_0, %arg0 : i32
    %mul3A_1 = arith.constant 512 : i32
    %mul3A_2 = arith.muli %add3A, %mul3A_1 : i32
    %scan3A = arith.constant 0 : i32
    %scan3A_3 = arith.constant 2 : i32
    %scan3A_4 = arith.addi %scan3A, %scan3A_3 : i32
    %scan3A_5 = arith.constant 1 : i32
    scf.for %scan3A_16 = %scan3A to %scan3A_4 step %scan3A_5  : i32 {
      %mul3A_17 = arith.constant 1 : i32
      %mul3A_18 = arith.muli %scan3A_16, %mul3A_17 : i32
      %add3A_19 = arith.constant 0 : i32
      %add3A_20 = arith.addi %add3A_19, %mul3A_18 : i32
      %mul3A_21 = arith.constant 256 : i32
      %mul3A_22 = arith.muli %add3A_20, %mul3A_21 : i32
      %add3A_23 = arith.addi %mul3A_2, %mul3A_22 : i32
      %dma_start3A = tpu.memref_slice %arg3[%add3A_23] : memref<16384xi32, #tpu.memory_space<hbm>> -> memref<256xi32, #tpu.memory_space<hbm>>
      %dma_start3A_24 = tpu.memref_slice %arg3[%add3A_23] : memref<16384xi32, #tpu.memory_space<hbm>> -> memref<256xi32, #tpu.memory_space<hbm>>
      tpu.enqueue_dma source(%dma_start3A_24 : memref<256xi32, #tpu.memory_space<hbm>>) target(%arg7 : memref<256xi32, #tpu.memory_space<vmem>>) target_semaphore(%arg9 : memref<!tpu.dma_semaphore, #tpu.memory_space<semaphore_mem>>)
      %dma_wait3A = tpu.memref_slice %arg3[%add3A_23] : memref<16384xi32, #tpu.memory_space<hbm>> -> memref<256xi32, #tpu.memory_space<hbm>>
      %dma_wait3A_25 = tpu.memref_slice %arg3[%add3A_23] : memref<16384xi32, #tpu.memory_space<hbm>> -> memref<256xi32, #tpu.memory_space<hbm>>
      tpu.wait_dma2 semaphore(%arg9 : memref<!tpu.dma_semaphore, #tpu.memory_space<semaphore_mem>>) src(%dma_wait3A_25 : memref<256xi32, #tpu.memory_space<hbm>>) dst(%arg7 : memref<256xi32, #tpu.memory_space<vmem>>)
      %scan3A_26 = arith.constant 0 : i32
      %scan3A_27 = arith.constant 16 : i32
      %scan3A_28 = arith.addi %scan3A_26, %scan3A_27 : i32
      %scan3A_29 = arith.constant 1 : i32
      scf.for %scan3A_37 = %scan3A_26 to %scan3A_28 step %scan3A_29  : i32 {
        %mul3A_38 = arith.constant 16 : i32
        %mul3A_39 = arith.muli %scan3A_37, %mul3A_38 : i32
        %add3A_40 = arith.constant 0 : i32
        %add3A_41 = arith.addi %add3A_40, %mul3A_39 : i32
        %get3A = arith.index_cast %add3A_41 : i32 to index
        %get3A_42 = tpu.vector_load %arg7[%get3A] {strides = array<i32>} : memref<256xi32, #tpu.memory_space<vmem>>, vector<16xi32>,
        %get3A_43 = vector.shape_cast %get3A_42 : vector<16xi32> to vector<16xi32>
        %slice3A = vector.extract_strided_slice %get3A_43 {offsets = [0], sizes = [1], strides = [1]} : vector<16xi32> to vector<1xi32>
        %squeeze3A = vector.extract %slice3A[0] : i32 from vector<1xi32>
        %add3A_44 = arith.constant 0 : i32
        %add3A_45 = arith.addi %add3A_41, %add3A_44 : i32
        %dma_start3A_46 = arith.constant 0 : i32
        %dma_start3A_47 = tpu.memref_slice %arg8[%add3A_45, %dma_start3A_46] : memref<256x64xf32, #tpu.memory_space<vmem>> -> memref<1x64xf32, #tpu.memory_space<vmem>>
        %dma_start3A_48 = arith.constant 0 : i32
        %dma_start3A_49 = tpu.memref_slice %arg2[%squeeze3A, %dma_start3A_48] : memref<1000000x64xf32, #tpu.memory_space<hbm>> -> memref<1x64xf32, #tpu.memory_space<hbm>>
        %dma_start3A_50 = arith.constant 0 : i32
        %dma_start3A_51 = tpu.memref_slice %arg8[%add3A_45, %dma_start3A_50] : memref<256x64xf32, #tpu.memory_space<vmem>> -> memref<1x64xf32, #tpu.memory_space<vmem>>
        %dma_start3A_52 = arith.constant 0 : i32
        %dma_start3A_53 = tpu.memref_slice %arg2[%squeeze3A, %dma_start3A_52] : memref<1000000x64xf32, #tpu.memory_space<hbm>> -> memref<1x64xf32, #tpu.memory_space<hbm>>
        tpu.enqueue_dma source(%dma_start3A_53 : memref<1x64xf32, #tpu.memory_space<hbm>>) target(%dma_start3A_51 : memref<1x64xf32, #tpu.memory_space<vmem>>) target_semaphore(%arg10 : memref<!tpu.dma_semaphore, #tpu.memory_space<semaphore_mem>>)
        %slice3A_54 = vector.extract_strided_slice %get3A_43 {offsets = [1], sizes = [1], strides = [1]} : vector<16xi32> to vector<1xi32>
        %squeeze3A_55 = vector.extract %slice3A_54[0] : i32 from vector<1xi32>
        %add3A_56 = arith.constant 1 : i32
        %add3A_57 = arith.addi %add3A_41, %add3A_56 : i32
        %dma_start3A_58 = arith.constant 0 : i32
        %dma_start3A_59 = tpu.memref_slice %arg8[%add3A_57, %dma_start3A_58] : memref<256x64xf32, #tpu.memory_space<vmem>> -> memref<1x64xf32, #tpu.memory_space<vmem>>
        %dma_start3A_60 = arith.constant 0 : i32
        %dma_start3A_61 = tpu.memref_slice %arg2[%squeeze3A_55, %dma_start3A_60] : memref<1000000x64xf32, #tpu.memory_space<hbm>> -> memref<1x64xf32, #tpu.memory_space<hbm>>
        %dma_start3A_62 = arith.constant 0 : i32
        %dma_start3A_63 = tpu.memref_slice %arg8[%add3A_57, %dma_start3A_62] : memref<256x64xf32, #tpu.memory_space<vmem>> -> memref<1x64xf32, #tpu.memory_space<vmem>>
        %dma_start3A_64 = arith.constant 0 : i32
        %dma_start3A_65 = tpu.memref_slice %arg2[%squeeze3A_55, %dma_start3A_64] : memref<1000000x64xf32, #tpu.memory_space<hbm>> -> memref<1x64xf32, #tpu.memory_space<hbm>>
        tpu.enqueue_dma source(%dma_start3A_65 : memref<1x64xf32, #tpu.memory_space<hbm>>) target(%dma_start3A_63 : memref<1x64xf32, #tpu.memory_space<vmem>>) target_semaphore(%arg10 : memref<!tpu.dma_semaphore, #tpu.memory_space<semaphore_mem>>)
        %slice3A_66 = vector.extract_strided_slice %get3A_43 {offsets = [2], sizes = [1], strides = [1]} : vector<16xi32> to vector<1xi32>
        %squeeze3A_67 = vector.extract %slice3A_66[0] : i32 from vector<1xi32>
        %add3A_68 = arith.constant 2 : i32
        %add3A_69 = arith.addi %add3A_41, %add3A_68 : i32
        %dma_start3A_70 = arith.constant 0 : i32
        %dma_start3A_71 = tpu.memref_slice %arg8[%add3A_69, %dma_start3A_70] : memref<256x64xf32, #tpu.memory_space<vmem>> -> memref<1x64xf32, #tpu.memory_space<vmem>>
        %dma_start3A_72 = arith.constant 0 : i32
        %dma_start3A_73 = tpu.memref_slice %arg2[%squeeze3A_67, %dma_start3A_72] : memref<1000000x64xf32, #tpu.memory_space<hbm>> -> memref<1x64xf32, #tpu.memory_space<hbm>>
        %dma_start3A_74 = arith.constant 0 : i32
        %dma_start3A_75 = tpu.memref_slice %arg8[%add3A_69, %dma_start3A_74] : memref<256x64xf32, #tpu.memory_space<vmem>> -> memref<1x64xf32, #tpu.memory_space<vmem>>
        %dma_start3A_76 = arith.constant 0 : i32
        %dma_start3A_77 = tpu.memref_slice %arg2[%squeeze3A_67, %dma_start3A_76] : memref<1000000x64xf32, #tpu.memory_space<hbm>> -> memref<1x64xf32, #tpu.memory_space<hbm>>
        tpu.enqueue_dma source(%dma_start3A_77 : memref<1x64xf32, #tpu.memory_space<hbm>>) target(%dma_start3A_75 : memref<1x64xf32, #tpu.memory_space<vmem>>) target_semaphore(%arg10 : memref<!tpu.dma_semaphore, #tpu.memory_space<semaphore_mem>>)
        %slice3A_78 = vector.extract_strided_slice %get3A_43 {offsets = [3], sizes = [1], strides = [1]} : vector<16xi32> to vector<1xi32>
        %squeeze3A_79 = vector.extract %slice3A_78[0] : i32 from vector<1xi32>
        %add3A_80 = arith.constant 3 : i32
        %add3A_81 = arith.addi %add3A_41, %add3A_80 : i32
        %dma_start3A_82 = arith.constant 0 : i32
        %dma_start3A_83 = tpu.memref_slice %arg8[%add3A_81, %dma_start3A_82] : memref<256x64xf32, #tpu.memory_space<vmem>> -> memref<1x64xf32, #tpu.memory_space<vmem>>
        %dma_start3A_84 = arith.constant 0 : i32
        %dma_start3A_85 = tpu.memref_slice %arg2[%squeeze3A_79, %dma_start3A_84] : memref<1000000x64xf32, #tpu.memory_space<hbm>> -> memref<1x64xf32, #tpu.memory_space<hbm>>
        %dma_start3A_86 = arith.constant 0 : i32
        %dma_start3A_87 = tpu.memref_slice %arg8[%add3A_81, %dma_start3A_86] : memref<256x64xf32, #tpu.memory_space<vmem>> -> memref<1x64xf32, #tpu.memory_space<vmem>>
        %dma_start3A_88 = arith.constant 0 : i32
        %dma_start3A_89 = tpu.memref_slice %arg2[%squeeze3A_79, %dma_start3A_88] : memref<1000000x64xf32, #tpu.memory_space<hbm>> -> memref<1x64xf32, #tpu.memory_space<hbm>>
        tpu.enqueue_dma source(%dma_start3A_89 : memref<1x64xf32, #tpu.memory_space<hbm>>) target(%dma_start3A_87 : memref<1x64xf32, #tpu.memory_space<vmem>>) target_semaphore(%arg10 : memref<!tpu.dma_semaphore, #tpu.memory_space<semaphore_mem>>)
        %slice3A_90 = vector.extract_strided_slice %get3A_43 {offsets = [4], sizes = [1], strides = [1]} : vector<16xi32> to vector<1xi32>
        %squeeze3A_91 = vector.extract %slice3A_90[0] : i32 from vector<1xi32>
        %add3A_92 = arith.constant 4 : i32
        %add3A_93 = arith.addi %add3A_41, %add3A_92 : i32
        %dma_start3A_94 = arith.constant 0 : i32
        %dma_start3A_95 = tpu.memref_slice %arg8[%add3A_93, %dma_start3A_94] : memref<256x64xf32, #tpu.memory_space<vmem>> -> memref<1x64xf32, #tpu.memory_space<vmem>>
        %dma_start3A_96 = arith.constant 0 : i32
        %dma_start3A_97 = tpu.memref_slice %arg2[%squeeze3A_91, %dma_start3A_96] : memref<1000000x64xf32, #tpu.memory_space<hbm>> -> memref<1x64xf32, #tpu.memory_space<hbm>>
        %dma_start3A_98 = arith.constant 0 : i32
        %dma_start3A_99 = tpu.memref_slice %arg8[%add3A_93, %dma_start3A_98] : memref<256x64xf32, #tpu.memory_space<vmem>> -> memref<1x64xf32, #tpu.memory_space<vmem>>
        %dma_start3A_100 = arith.constant 0 : i32
        %dma_start3A_101 = tpu.memref_slice %arg2[%squeeze3A_91, %dma_start3A_100] : memref<1000000x64xf32, #tpu.memory_space<hbm>> -> memref<1x64xf32, #tpu.memory_space<hbm>>
        tpu.enqueue_dma source(%dma_start3A_101 : memref<1x64xf32, #tpu.memory_space<hbm>>) target(%dma_start3A_99 : memref<1x64xf32, #tpu.memory_space<vmem>>) target_semaphore(%arg10 : memref<!tpu.dma_semaphore, #tpu.memory_space<semaphore_mem>>)
        %slice3A_102 = vector.extract_strided_slice %get3A_43 {offsets = [5], sizes = [1], strides = [1]} : vector<16xi32> to vector<1xi32>
        %squeeze3A_103 = vector.extract %slice3A_102[0] : i32 from vector<1xi32>
        %add3A_104 = arith.constant 5 : i32
        %add3A_105 = arith.addi %add3A_41, %add3A_104 : i32
        %dma_start3A_106 = arith.constant 0 : i32
        %dma_start3A_107 = tpu.memref_slice %arg8[%add3A_105, %dma_start3A_106] : memref<256x64xf32, #tpu.memory_space<vmem>> -> memref<1x64xf32, #tpu.memory_space<vmem>>
        %dma_start3A_108 = arith.constant 0 : i32
        %dma_start3A_109 = tpu.memref_slice %arg2[%squeeze3A_103, %dma_start3A_108] : memref<1000000x64xf32, #tpu.memory_space<hbm>> -> memref<1x64xf32, #tpu.memory_space<hbm>>
        %dma_start3A_110 = arith.constant 0 : i32
        %dma_start3A_111 = tpu.memref_slice %arg8[%add3A_105, %dma_start3A_110] : memref<256x64xf32, #tpu.memory_space<vmem>> -> memref<1x64xf32, #tpu.memory_space<vmem>>
        %dma_start3A_112 = arith.constant 0 : i32
        %dma_start3A_113 = tpu.memref_slice %arg2[%squeeze3A_103, %dma_start3A_112] : memref<1000000x64xf32, #tpu.memory_space<hbm>> -> memref<1x64xf32, #tpu.memory_space<hbm>>
        tpu.enqueue_dma source(%dma_start3A_113 : memref<1x64xf32, #tpu.memory_space<hbm>>) target(%dma_start3A_111 : memref<1x64xf32, #tpu.memory_space<vmem>>) target_semaphore(%arg10 : memref<!tpu.dma_semaphore, #tpu.memory_space<semaphore_mem>>)
        %slice3A_114 = vector.extract_strided_slice %get3A_43 {offsets = [6], sizes = [1], strides = [1]} : vector<16xi32> to vector<1xi32>
        %squeeze3A_115 = vector.extract %slice3A_114[0] : i32 from vector<1xi32>
        %add3A_116 = arith.constant 6 : i32
        %add3A_117 = arith.addi %add3A_41, %add3A_116 : i32
        %dma_start3A_118 = arith.constant 0 : i32
        %dma_start3A_119 = tpu.memref_slice %arg8[%add3A_117, %dma_start3A_118] : memref<256x64xf32, #tpu.memory_space<vmem>> -> memref<1x64xf32, #tpu.memory_space<vmem>>
        %dma_start3A_120 = arith.constant 0 : i32
        %dma_start3A_121 = tpu.memref_slice %arg2[%squeeze3A_115, %dma_start3A_120] : memref<1000000x64xf32, #tpu.memory_space<hbm>> -> memref<1x64xf32, #tpu.memory_space<hbm>>
        %dma_start3A_122 = arith.constant 0 : i32
        %dma_start3A_123 = tpu.memref_slice %arg8[%add3A_117, %dma_start3A_122] : memref<256x64xf32, #tpu.memory_space<vmem>> -> memref<1x64xf32, #tpu.memory_space<vmem>>
        %dma_start3A_124 = arith.constant 0 : i32
        %dma_start3A_125 = tpu.memref_slice %arg2[%squeeze3A_115, %dma_start3A_124] : memref<1000000x64xf32, #tpu.memory_space<hbm>> -> memref<1x64xf32, #tpu.memory_space<hbm>>
        tpu.enqueue_dma source(%dma_start3A_125 : memref<1x64xf32, #tpu.memory_space<hbm>>) target(%dma_start3A_123 : memref<1x64xf32, #tpu.memory_space<vmem>>) target_semaphore(%arg10 : memref<!tpu.dma_semaphore, #tpu.memory_space<semaphore_mem>>)
        %slice3A_126 = vector.extract_strided_slice %get3A_43 {offsets = [7], sizes = [1], strides = [1]} : vector<16xi32> to vector<1xi32>
        %squeeze3A_127 = vector.extract %slice3A_126[0] : i32 from vector<1xi32>
        %add3A_128 = arith.constant 7 : i32
        %add3A_129 = arith.addi %add3A_41, %add3A_128 : i32
        %dma_start3A_130 = arith.constant 0 : i32
        %dma_start3A_131 = tpu.memref_slice %arg8[%add3A_129, %dma_start3A_130] : memref<256x64xf32, #tpu.memory_space<vmem>> -> memref<1x64xf32, #tpu.memory_space<vmem>>
        %dma_start3A_132 = arith.constant 0 : i32
        %dma_start3A_133 = tpu.memref_slice %arg2[%squeeze3A_127, %dma_start3A_132] : memref<1000000x64xf32, #tpu.memory_space<hbm>> -> memref<1x64xf32, #tpu.memory_space<hbm>>
        %dma_start3A_134 = arith.constant 0 : i32
        %dma_start3A_135 = tpu.memref_slice %arg8[%add3A_129, %dma_start3A_134] : memref<256x64xf32, #tpu.memory_space<vmem>> -> memref<1x64xf32, #tpu.memory_space<vmem>>
        %dma_start3A_136 = arith.constant 0 : i32
        %dma_start3A_137 = tpu.memref_slice %arg2[%squeeze3A_127, %dma_start3A_136] : memref<1000000x64xf32, #tpu.memory_space<hbm>> -> memref<1x64xf32, #tpu.memory_space<hbm>>
        tpu.enqueue_dma source(%dma_start3A_137 : memref<1x64xf32, #tpu.memory_space<hbm>>) target(%dma_start3A_135 : memref<1x64xf32, #tpu.memory_space<vmem>>) target_semaphore(%arg10 : memref<!tpu.dma_semaphore, #tpu.memory_space<semaphore_mem>>)
        %slice3A_138 = vector.extract_strided_slice %get3A_43 {offsets = [8], sizes = [1], strides = [1]} : vector<16xi32> to vector<1xi32>
        %squeeze3A_139 = vector.extract %slice3A_138[0] : i32 from vector<1xi32>
        %add3A_140 = arith.constant 8 : i32
        %add3A_141 = arith.addi %add3A_41, %add3A_140 : i32
        %dma_start3A_142 = arith.constant 0 : i32
        %dma_start3A_143 = tpu.memref_slice %arg8[%add3A_141, %dma_start3A_142] : memref<256x64xf32, #tpu.memory_space<vmem>> -> memref<1x64xf32, #tpu.memory_space<vmem>>
        %dma_start3A_144 = arith.constant 0 : i32
        %dma_start3A_145 = tpu.memref_slice %arg2[%squeeze3A_139, %dma_start3A_144] : memref<1000000x64xf32, #tpu.memory_space<hbm>> -> memref<1x64xf32, #tpu.memory_space<hbm>>
        %dma_start3A_146 = arith.constant 0 : i32
        %dma_start3A_147 = tpu.memref_slice %arg8[%add3A_141, %dma_start3A_146] : memref<256x64xf32, #tpu.memory_space<vmem>> -> memref<1x64xf32, #tpu.memory_space<vmem>>
        %dma_start3A_148 = arith.constant 0 : i32
        %dma_start3A_149 = tpu.memref_slice %arg2[%squeeze3A_139, %dma_start3A_148] : memref<1000000x64xf32, #tpu.memory_space<hbm>> -> memref<1x64xf32, #tpu.memory_space<hbm>>
        tpu.enqueue_dma source(%dma_start3A_149 : memref<1x64xf32, #tpu.memory_space<hbm>>) target(%dma_start3A_147 : memref<1x64xf32, #tpu.memory_space<vmem>>) target_semaphore(%arg10 : memref<!tpu.dma_semaphore, #tpu.memory_space<semaphore_mem>>)
        %slice3A_150 = vector.extract_strided_slice %get3A_43 {offsets = [9], sizes = [1], strides = [1]} : vector<16xi32> to vector<1xi32>
        %squeeze3A_151 = vector.extract %slice3A_150[0] : i32 from vector<1xi32>
        %add3A_152 = arith.constant 9 : i32
        %add3A_153 = arith.addi %add3A_41, %add3A_152 : i32
        %dma_start3A_154 = arith.constant 0 : i32
        %dma_start3A_155 = tpu.memref_slice %arg8[%add3A_153, %dma_start3A_154] : memref<256x64xf32, #tpu.memory_space<vmem>> -> memref<1x64xf32, #tpu.memory_space<vmem>>
        %dma_start3A_156 = arith.constant 0 : i32
        %dma_start3A_157 = tpu.memref_slice %arg2[%squeeze3A_151, %dma_start3A_156] : memref<1000000x64xf32, #tpu.memory_space<hbm>> -> memref<1x64xf32, #tpu.memory_space<hbm>>
        %dma_start3A_158 = arith.constant 0 : i32
        %dma_start3A_159 = tpu.memref_slice %arg8[%add3A_153, %dma_start3A_158] : memref<256x64xf32, #tpu.memory_space<vmem>> -> memref<1x64xf32, #tpu.memory_space<vmem>>
        %dma_start3A_160 = arith.constant 0 : i32
        %dma_start3A_161 = tpu.memref_slice %arg2[%squeeze3A_151, %dma_start3A_160] : memref<1000000x64xf32, #tpu.memory_space<hbm>> -> memref<1x64xf32, #tpu.memory_space<hbm>>
        tpu.enqueue_dma source(%dma_start3A_161 : memref<1x64xf32, #tpu.memory_space<hbm>>) target(%dma_start3A_159 : memref<1x64xf32, #tpu.memory_space<vmem>>) target_semaphore(%arg10 : memref<!tpu.dma_semaphore, #tpu.memory_space<semaphore_mem>>)
        %slice3A_162 = vector.extract_strided_slice %get3A_43 {offsets = [10], sizes = [1], strides = [1]} : vector<16xi32> to vector<1xi32>
        %squeeze3A_163 = vector.extract %slice3A_162[0] : i32 from vector<1xi32>
        %add3A_164 = arith.constant 10 : i32
        %add3A_165 = arith.addi %add3A_41, %add3A_164 : i32
        %dma_start3A_166 = arith.constant 0 : i32
        %dma_start3A_167 = tpu.memref_slice %arg8[%add3A_165, %dma_start3A_166] : memref<256x64xf32, #tpu.memory_space<vmem>> -> memref<1x64xf32, #tpu.memory_space<vmem>>
        %dma_start3A_168 = arith.constant 0 : i32
        %dma_start3A_169 = tpu.memref_slice %arg2[%squeeze3A_163, %dma_start3A_168] : memref<1000000x64xf32, #tpu.memory_space<hbm>> -> memref<1x64xf32, #tpu.memory_space<hbm>>
        %dma_start3A_170 = arith.constant 0 : i32
        %dma_start3A_171 = tpu.memref_slice %arg8[%add3A_165, %dma_start3A_170] : memref<256x64xf32, #tpu.memory_space<vmem>> -> memref<1x64xf32, #tpu.memory_space<vmem>>
        %dma_start3A_172 = arith.constant 0 : i32
        %dma_start3A_173 = tpu.memref_slice %arg2[%squeeze3A_163, %dma_start3A_172] : memref<1000000x64xf32, #tpu.memory_space<hbm>> -> memref<1x64xf32, #tpu.memory_space<hbm>>
        tpu.enqueue_dma source(%dma_start3A_173 : memref<1x64xf32, #tpu.memory_space<hbm>>) target(%dma_start3A_171 : memref<1x64xf32, #tpu.memory_space<vmem>>) target_semaphore(%arg10 : memref<!tpu.dma_semaphore, #tpu.memory_space<semaphore_mem>>)
        %slice3A_174 = vector.extract_strided_slice %get3A_43 {offsets = [11], sizes = [1], strides = [1]} : vector<16xi32> to vector<1xi32>
        %squeeze3A_175 = vector.extract %slice3A_174[0] : i32 from vector<1xi32>
        %add3A_176 = arith.constant 11 : i32
        %add3A_177 = arith.addi %add3A_41, %add3A_176 : i32
        %dma_start3A_178 = arith.constant 0 : i32
        %dma_start3A_179 = tpu.memref_slice %arg8[%add3A_177, %dma_start3A_178] : memref<256x64xf32, #tpu.memory_space<vmem>> -> memref<1x64xf32, #tpu.memory_space<vmem>>
        %dma_start3A_180 = arith.constant 0 : i32
        %dma_start3A_181 = tpu.memref_slice %arg2[%squeeze3A_175, %dma_start3A_180] : memref<1000000x64xf32, #tpu.memory_space<hbm>> -> memref<1x64xf32, #tpu.memory_space<hbm>>
        %dma_start3A_182 = arith.constant 0 : i32
        %dma_start3A_183 = tpu.memref_slice %arg8[%add3A_177, %dma_start3A_182] : memref<256x64xf32, #tpu.memory_space<vmem>> -> memref<1x64xf32, #tpu.memory_space<vmem>>
        %dma_start3A_184 = arith.constant 0 : i32
        %dma_start3A_185 = tpu.memref_slice %arg2[%squeeze3A_175, %dma_start3A_184] : memref<1000000x64xf32, #tpu.memory_space<hbm>> -> memref<1x64xf32, #tpu.memory_space<hbm>>
        tpu.enqueue_dma source(%dma_start3A_185 : memref<1x64xf32, #tpu.memory_space<hbm>>) target(%dma_start3A_183 : memref<1x64xf32, #tpu.memory_space<vmem>>) target_semaphore(%arg10 : memref<!tpu.dma_semaphore, #tpu.memory_space<semaphore_mem>>)
        %slice3A_186 = vector.extract_strided_slice %get3A_43 {offsets = [12], sizes = [1], strides = [1]} : vector<16xi32> to vector<1xi32>
        %squeeze3A_187 = vector.extract %slice3A_186[0] : i32 from vector<1xi32>
        %add3A_188 = arith.constant 12 : i32
        %add3A_189 = arith.addi %add3A_41, %add3A_188 : i32
        %dma_start3A_190 = arith.constant 0 : i32
        %dma_start3A_191 = tpu.memref_slice %arg8[%add3A_189, %dma_start3A_190] : memref<256x64xf32, #tpu.memory_space<vmem>> -> memref<1x64xf32, #tpu.memory_space<vmem>>
        %dma_start3A_192 = arith.constant 0 : i32
        %dma_start3A_193 = tpu.memref_slice %arg2[%squeeze3A_187, %dma_start3A_192] : memref<1000000x64xf32, #tpu.memory_space<hbm>> -> memref<1x64xf32, #tpu.memory_space<hbm>>
        %dma_start3A_194 = arith.constant 0 : i32
        %dma_start3A_195 = tpu.memref_slice %arg8[%add3A_189, %dma_start3A_194] : memref<256x64xf32, #tpu.memory_space<vmem>> -> memref<1x64xf32, #tpu.memory_space<vmem>>
        %dma_start3A_196 = arith.constant 0 : i32
        %dma_start3A_197 = tpu.memref_slice %arg2[%squeeze3A_187, %dma_start3A_196] : memref<1000000x64xf32, #tpu.memory_space<hbm>> -> memref<1x64xf32, #tpu.memory_space<hbm>>
        tpu.enqueue_dma source(%dma_start3A_197 : memref<1x64xf32, #tpu.memory_space<hbm>>) target(%dma_start3A_195 : memref<1x64xf32, #tpu.memory_space<vmem>>) target_semaphore(%arg10 : memref<!tpu.dma_semaphore, #tpu.memory_space<semaphore_mem>>)
        %slice3A_198 = vector.extract_strided_slice %get3A_43 {offsets = [13], sizes = [1], strides = [1]} : vector<16xi32> to vector<1xi32>
        %squeeze3A_199 = vector.extract %slice3A_198[0] : i32 from vector<1xi32>
        %add3A_200 = arith.constant 13 : i32
        %add3A_201 = arith.addi %add3A_41, %add3A_200 : i32
        %dma_start3A_202 = arith.constant 0 : i32
        %dma_start3A_203 = tpu.memref_slice %arg8[%add3A_201, %dma_start3A_202] : memref<256x64xf32, #tpu.memory_space<vmem>> -> memref<1x64xf32, #tpu.memory_space<vmem>>
        %dma_start3A_204 = arith.constant 0 : i32
        %dma_start3A_205 = tpu.memref_slice %arg2[%squeeze3A_199, %dma_start3A_204] : memref<1000000x64xf32, #tpu.memory_space<hbm>> -> memref<1x64xf32, #tpu.memory_space<hbm>>
        %dma_start3A_206 = arith.constant 0 : i32
        %dma_start3A_207 = tpu.memref_slice %arg8[%add3A_201, %dma_start3A_206] : memref<256x64xf32, #tpu.memory_space<vmem>> -> memref<1x64xf32, #tpu.memory_space<vmem>>
        %dma_start3A_208 = arith.constant 0 : i32
        %dma_start3A_209 = tpu.memref_slice %arg2[%squeeze3A_199, %dma_start3A_208] : memref<1000000x64xf32, #tpu.memory_space<hbm>> -> memref<1x64xf32, #tpu.memory_space<hbm>>
        tpu.enqueue_dma source(%dma_start3A_209 : memref<1x64xf32, #tpu.memory_space<hbm>>) target(%dma_start3A_207 : memref<1x64xf32, #tpu.memory_space<vmem>>) target_semaphore(%arg10 : memref<!tpu.dma_semaphore, #tpu.memory_space<semaphore_mem>>)
        %slice3A_210 = vector.extract_strided_slice %get3A_43 {offsets = [14], sizes = [1], strides = [1]} : vector<16xi32> to vector<1xi32>
        %squeeze3A_211 = vector.extract %slice3A_210[0] : i32 from vector<1xi32>
        %add3A_212 = arith.constant 14 : i32
        %add3A_213 = arith.addi %add3A_41, %add3A_212 : i32
        %dma_start3A_214 = arith.constant 0 : i32
        %dma_start3A_215 = tpu.memref_slice %arg8[%add3A_213, %dma_start3A_214] : memref<256x64xf32, #tpu.memory_space<vmem>> -> memref<1x64xf32, #tpu.memory_space<vmem>>
        %dma_start3A_216 = arith.constant 0 : i32
        %dma_start3A_217 = tpu.memref_slice %arg2[%squeeze3A_211, %dma_start3A_216] : memref<1000000x64xf32, #tpu.memory_space<hbm>> -> memref<1x64xf32, #tpu.memory_space<hbm>>
        %dma_start3A_218 = arith.constant 0 : i32
        %dma_start3A_219 = tpu.memref_slice %arg8[%add3A_213, %dma_start3A_218] : memref<256x64xf32, #tpu.memory_space<vmem>> -> memref<1x64xf32, #tpu.memory_space<vmem>>
        %dma_start3A_220 = arith.constant 0 : i32
        %dma_start3A_221 = tpu.memref_slice %arg2[%squeeze3A_211, %dma_start3A_220] : memref<1000000x64xf32, #tpu.memory_space<hbm>> -> memref<1x64xf32, #tpu.memory_space<hbm>>
        tpu.enqueue_dma source(%dma_start3A_221 : memref<1x64xf32, #tpu.memory_space<hbm>>) target(%dma_start3A_219 : memref<1x64xf32, #tpu.memory_space<vmem>>) target_semaphore(%arg10 : memref<!tpu.dma_semaphore, #tpu.memory_space<semaphore_mem>>)
        %slice3A_222 = vector.extract_strided_slice %get3A_43 {offsets = [15], sizes = [1], strides = [1]} : vector<16xi32> to vector<1xi32>
        %squeeze3A_223 = vector.extract %slice3A_222[0] : i32 from vector<1xi32>
        %add3A_224 = arith.constant 15 : i32
        %add3A_225 = arith.addi %add3A_41, %add3A_224 : i32
        %dma_start3A_226 = arith.constant 0 : i32
        %dma_start3A_227 = tpu.memref_slice %arg8[%add3A_225, %dma_start3A_226] : memref<256x64xf32, #tpu.memory_space<vmem>> -> memref<1x64xf32, #tpu.memory_space<vmem>>
        %dma_start3A_228 = arith.constant 0 : i32
        %dma_start3A_229 = tpu.memref_slice %arg2[%squeeze3A_223, %dma_start3A_228] : memref<1000000x64xf32, #tpu.memory_space<hbm>> -> memref<1x64xf32, #tpu.memory_space<hbm>>
        %dma_start3A_230 = arith.constant 0 : i32
        %dma_start3A_231 = tpu.memref_slice %arg8[%add3A_225, %dma_start3A_230] : memref<256x64xf32, #tpu.memory_space<vmem>> -> memref<1x64xf32, #tpu.memory_space<vmem>>
        %dma_start3A_232 = arith.constant 0 : i32
        %dma_start3A_233 = tpu.memref_slice %arg2[%squeeze3A_223, %dma_start3A_232] : memref<1000000x64xf32, #tpu.memory_space<hbm>> -> memref<1x64xf32, #tpu.memory_space<hbm>>
        tpu.enqueue_dma source(%dma_start3A_233 : memref<1x64xf32, #tpu.memory_space<hbm>>) target(%dma_start3A_231 : memref<1x64xf32, #tpu.memory_space<vmem>>) target_semaphore(%arg10 : memref<!tpu.dma_semaphore, #tpu.memory_space<semaphore_mem>>)
      }
      %scan3A_30 = arith.constant 16 : i32
      %dma_wait3A_31 = arith.constant 0 : i32
      %dma_wait3A_32 = arith.constant 0 : i32
      %dma_wait3A_33 = tpu.memref_slice %arg2[%dma_wait3A_31, %dma_wait3A_32] : memref<1000000x64xf32, #tpu.memory_space<hbm>> -> memref<256x64xf32, #tpu.memory_space<hbm>>
      %dma_wait3A_34 = arith.constant 0 : i32
      %dma_wait3A_35 = arith.constant 0 : i32
      %dma_wait3A_36 = tpu.memref_slice %arg2[%dma_wait3A_34, %dma_wait3A_35] : memref<1000000x64xf32, #tpu.memory_space<hbm>> -> memref<256x64xf32, #tpu.memory_space<hbm>>
      tpu.wait_dma2 semaphore(%arg10 : memref<!tpu.dma_semaphore, #tpu.memory_space<semaphore_mem>>) src(%dma_wait3A_36 : memref<256x64xf32, #tpu.memory_space<hbm>>) dst(%arg8 : memref<256x64xf32, #tpu.memory_space<vmem>>)
      "tpu.region"() ({
        %run_scoped3A = tpu.sem_alloc : memref<!tpu.dma_semaphore, #tpu.memory_space<semaphore_mem>>
        %dma_start3A_37 = arith.constant 0 : i32
        %dma_start3A_38 = tpu.memref_slice %arg5[%add3A_23, %dma_start3A_37] : memref<16384x64xf32, #tpu.memory_space<hbm>> -> memref<256x64xf32, #tpu.memory_space<hbm>>
        %dma_start3A_39 = arith.constant 0 : i32
        %dma_start3A_40 = tpu.memref_slice %arg5[%add3A_23, %dma_start3A_39] : memref<16384x64xf32, #tpu.memory_space<hbm>> -> memref<256x64xf32, #tpu.memory_space<hbm>>
        tpu.enqueue_dma source(%arg8 : memref<256x64xf32, #tpu.memory_space<vmem>>) target(%dma_start3A_40 : memref<256x64xf32, #tpu.memory_space<hbm>>) target_semaphore(%run_scoped3A : memref<!tpu.dma_semaphore, #tpu.memory_space<semaphore_mem>>)
        %dma_wait3A_41 = arith.constant 0 : i32
        %dma_wait3A_42 = tpu.memref_slice %arg5[%add3A_23, %dma_wait3A_41] : memref<16384x64xf32, #tpu.memory_space<hbm>> -> memref<256x64xf32, #tpu.memory_space<hbm>>
        %dma_wait3A_43 = arith.constant 0 : i32
        %dma_wait3A_44 = tpu.memref_slice %arg5[%add3A_23, %dma_wait3A_43] : memref<16384x64xf32, #tpu.memory_space<hbm>> -> memref<256x64xf32, #tpu.memory_space<hbm>>
        tpu.wait_dma2 semaphore(%run_scoped3A : memref<!tpu.dma_semaphore, #tpu.memory_space<semaphore_mem>>) src(%arg8 : memref<256x64xf32, #tpu.memory_space<vmem>>) dst(%dma_wait3A_44 : memref<256x64xf32, #tpu.memory_space<hbm>>)
        tpu.yield
      }) : () -> ()
    }
    %scan3A_6 = arith.constant 2 : i32
    %mul3A_7 = arith.constant 512 : i32
    %mul3A_8 = arith.muli %add3A, %mul3A_7 : i32
    %mul3A_9 = arith.constant 20 : i32
    %mul3A_10 = arith.muli %mul3A_8, %mul3A_9 : i32
    %scan3A_11 = arith.constant 0 : i32
    %scan3A_12 = arith.constant 40 : i32
    %scan3A_13 = arith.addi %scan3A_11, %scan3A_12 : i32
    %scan3A_14 = arith.constant 1 : i32
    scf.for %scan3A_16 = %scan3A_11 to %scan3A_13 step %scan3A_14  : i32 {
      %mul3A_17 = arith.constant 1 : i32
      %mul3A_18 = arith.muli %scan3A_16, %mul3A_17 : i32
      %add3A_19 = arith.constant 0 : i32
      %add3A_20 = arith.addi %add3A_19, %mul3A_18 : i32
      %mul3A_21 = arith.constant 256 : i32
      %mul3A_22 = arith.muli %add3A_20, %mul3A_21 : i32
      %add3A_23 = arith.addi %mul3A_10, %mul3A_22 : i32
      %dma_start3A = tpu.memref_slice %arg4[%add3A_23] : memref<327680xi32, #tpu.memory_space<hbm>> -> memref<256xi32, #tpu.memory_space<hbm>>
      %dma_start3A_24 = tpu.memref_slice %arg4[%add3A_23] : memref<327680xi32, #tpu.memory_space<hbm>> -> memref<256xi32, #tpu.memory_space<hbm>>
      tpu.enqueue_dma source(%dma_start3A_24 : memref<256xi32, #tpu.memory_space<hbm>>) target(%arg7 : memref<256xi32, #tpu.memory_space<vmem>>) target_semaphore(%arg9 : memref<!tpu.dma_semaphore, #tpu.memory_space<semaphore_mem>>)
      %dma_wait3A = tpu.memref_slice %arg4[%add3A_23] : memref<327680xi32, #tpu.memory_space<hbm>> -> memref<256xi32, #tpu.memory_space<hbm>>
      %dma_wait3A_25 = tpu.memref_slice %arg4[%add3A_23] : memref<327680xi32, #tpu.memory_space<hbm>> -> memref<256xi32, #tpu.memory_space<hbm>>
      tpu.wait_dma2 semaphore(%arg9 : memref<!tpu.dma_semaphore, #tpu.memory_space<semaphore_mem>>) src(%dma_wait3A_25 : memref<256xi32, #tpu.memory_space<hbm>>) dst(%arg7 : memref<256xi32, #tpu.memory_space<vmem>>)
      %scan3A_26 = arith.constant 0 : i32
      %scan3A_27 = arith.constant 16 : i32
      %scan3A_28 = arith.addi %scan3A_26, %scan3A_27 : i32
      %scan3A_29 = arith.constant 1 : i32
      scf.for %scan3A_37 = %scan3A_26 to %scan3A_28 step %scan3A_29  : i32 {
        %mul3A_38 = arith.constant 16 : i32
        %mul3A_39 = arith.muli %scan3A_37, %mul3A_38 : i32
        %add3A_40 = arith.constant 0 : i32
        %add3A_41 = arith.addi %add3A_40, %mul3A_39 : i32
        %get3A = arith.index_cast %add3A_41 : i32 to index
        %get3A_42 = tpu.vector_load %arg7[%get3A] {strides = array<i32>} : memref<256xi32, #tpu.memory_space<vmem>>, vector<16xi32>,
        %get3A_43 = vector.shape_cast %get3A_42 : vector<16xi32> to vector<16xi32>
        %slice3A = vector.extract_strided_slice %get3A_43 {offsets = [0], sizes = [1], strides = [1]} : vector<16xi32> to vector<1xi32>
        %squeeze3A = vector.extract %slice3A[0] : i32 from vector<1xi32>
        %add3A_44 = arith.constant 0 : i32
        %add3A_45 = arith.addi %add3A_41, %add3A_44 : i32
        %dma_start3A_46 = arith.constant 0 : i32
        %dma_start3A_47 = tpu.memref_slice %arg8[%add3A_45, %dma_start3A_46] : memref<256x64xf32, #tpu.memory_space<vmem>> -> memref<1x64xf32, #tpu.memory_space<vmem>>
        %dma_start3A_48 = arith.constant 0 : i32
        %dma_start3A_49 = tpu.memref_slice %arg2[%squeeze3A, %dma_start3A_48] : memref<1000000x64xf32, #tpu.memory_space<hbm>> -> memref<1x64xf32, #tpu.memory_space<hbm>>
        %dma_start3A_50 = arith.constant 0 : i32
        %dma_start3A_51 = tpu.memref_slice %arg8[%add3A_45, %dma_start3A_50] : memref<256x64xf32, #tpu.memory_space<vmem>> -> memref<1x64xf32, #tpu.memory_space<vmem>>
        %dma_start3A_52 = arith.constant 0 : i32
        %dma_start3A_53 = tpu.memref_slice %arg2[%squeeze3A, %dma_start3A_52] : memref<1000000x64xf32, #tpu.memory_space<hbm>> -> memref<1x64xf32, #tpu.memory_space<hbm>>
        tpu.enqueue_dma source(%dma_start3A_53 : memref<1x64xf32, #tpu.memory_space<hbm>>) target(%dma_start3A_51 : memref<1x64xf32, #tpu.memory_space<vmem>>) target_semaphore(%arg10 : memref<!tpu.dma_semaphore, #tpu.memory_space<semaphore_mem>>)
        %slice3A_54 = vector.extract_strided_slice %get3A_43 {offsets = [1], sizes = [1], strides = [1]} : vector<16xi32> to vector<1xi32>
        %squeeze3A_55 = vector.extract %slice3A_54[0] : i32 from vector<1xi32>
        %add3A_56 = arith.constant 1 : i32
        %add3A_57 = arith.addi %add3A_41, %add3A_56 : i32
        %dma_start3A_58 = arith.constant 0 : i32
        %dma_start3A_59 = tpu.memref_slice %arg8[%add3A_57, %dma_start3A_58] : memref<256x64xf32, #tpu.memory_space<vmem>> -> memref<1x64xf32, #tpu.memory_space<vmem>>
        %dma_start3A_60 = arith.constant 0 : i32
        %dma_start3A_61 = tpu.memref_slice %arg2[%squeeze3A_55, %dma_start3A_60] : memref<1000000x64xf32, #tpu.memory_space<hbm>> -> memref<1x64xf32, #tpu.memory_space<hbm>>
        %dma_start3A_62 = arith.constant 0 : i32
        %dma_start3A_63 = tpu.memref_slice %arg8[%add3A_57, %dma_start3A_62] : memref<256x64xf32, #tpu.memory_space<vmem>> -> memref<1x64xf32, #tpu.memory_space<vmem>>
        %dma_start3A_64 = arith.constant 0 : i32
        %dma_start3A_65 = tpu.memref_slice %arg2[%squeeze3A_55, %dma_start3A_64] : memref<1000000x64xf32, #tpu.memory_space<hbm>> -> memref<1x64xf32, #tpu.memory_space<hbm>>
        tpu.enqueue_dma source(%dma_start3A_65 : memref<1x64xf32, #tpu.memory_space<hbm>>) target(%dma_start3A_63 : memref<1x64xf32, #tpu.memory_space<vmem>>) target_semaphore(%arg10 : memref<!tpu.dma_semaphore, #tpu.memory_space<semaphore_mem>>)
        %slice3A_66 = vector.extract_strided_slice %get3A_43 {offsets = [2], sizes = [1], strides = [1]} : vector<16xi32> to vector<1xi32>
        %squeeze3A_67 = vector.extract %slice3A_66[0] : i32 from vector<1xi32>
        %add3A_68 = arith.constant 2 : i32
        %add3A_69 = arith.addi %add3A_41, %add3A_68 : i32
        %dma_start3A_70 = arith.constant 0 : i32
        %dma_start3A_71 = tpu.memref_slice %arg8[%add3A_69, %dma_start3A_70] : memref<256x64xf32, #tpu.memory_space<vmem>> -> memref<1x64xf32, #tpu.memory_space<vmem>>
        %dma_start3A_72 = arith.constant 0 : i32
        %dma_start3A_73 = tpu.memref_slice %arg2[%squeeze3A_67, %dma_start3A_72] : memref<1000000x64xf32, #tpu.memory_space<hbm>> -> memref<1x64xf32, #tpu.memory_space<hbm>>
        %dma_start3A_74 = arith.constant 0 : i32
        %dma_start3A_75 = tpu.memref_slice %arg8[%add3A_69, %dma_start3A_74] : memref<256x64xf32, #tpu.memory_space<vmem>> -> memref<1x64xf32, #tpu.memory_space<vmem>>
        %dma_start3A_76 = arith.constant 0 : i32
        %dma_start3A_77 = tpu.memref_slice %arg2[%squeeze3A_67, %dma_start3A_76] : memref<1000000x64xf32, #tpu.memory_space<hbm>> -> memref<1x64xf32, #tpu.memory_space<hbm>>
        tpu.enqueue_dma source(%dma_start3A_77 : memref<1x64xf32, #tpu.memory_space<hbm>>) target(%dma_start3A_75 : memref<1x64xf32, #tpu.memory_space<vmem>>) target_semaphore(%arg10 : memref<!tpu.dma_semaphore, #tpu.memory_space<semaphore_mem>>)
        %slice3A_78 = vector.extract_strided_slice %get3A_43 {offsets = [3], sizes = [1], strides = [1]} : vector<16xi32> to vector<1xi32>
        %squeeze3A_79 = vector.extract %slice3A_78[0] : i32 from vector<1xi32>
        %add3A_80 = arith.constant 3 : i32
        %add3A_81 = arith.addi %add3A_41, %add3A_80 : i32
        %dma_start3A_82 = arith.constant 0 : i32
        %dma_start3A_83 = tpu.memref_slice %arg8[%add3A_81, %dma_start3A_82] : memref<256x64xf32, #tpu.memory_space<vmem>> -> memref<1x64xf32, #tpu.memory_space<vmem>>
        %dma_start3A_84 = arith.constant 0 : i32
        %dma_start3A_85 = tpu.memref_slice %arg2[%squeeze3A_79, %dma_start3A_84] : memref<1000000x64xf32, #tpu.memory_space<hbm>> -> memref<1x64xf32, #tpu.memory_space<hbm>>
        %dma_start3A_86 = arith.constant 0 : i32
        %dma_start3A_87 = tpu.memref_slice %arg8[%add3A_81, %dma_start3A_86] : memref<256x64xf32, #tpu.memory_space<vmem>> -> memref<1x64xf32, #tpu.memory_space<vmem>>
        %dma_start3A_88 = arith.constant 0 : i32
        %dma_start3A_89 = tpu.memref_slice %arg2[%squeeze3A_79, %dma_start3A_88] : memref<1000000x64xf32, #tpu.memory_space<hbm>> -> memref<1x64xf32, #tpu.memory_space<hbm>>
        tpu.enqueue_dma source(%dma_start3A_89 : memref<1x64xf32, #tpu.memory_space<hbm>>) target(%dma_start3A_87 : memref<1x64xf32, #tpu.memory_space<vmem>>) target_semaphore(%arg10 : memref<!tpu.dma_semaphore, #tpu.memory_space<semaphore_mem>>)
        %slice3A_90 = vector.extract_strided_slice %get3A_43 {offsets = [4], sizes = [1], strides = [1]} : vector<16xi32> to vector<1xi32>
        %squeeze3A_91 = vector.extract %slice3A_90[0] : i32 from vector<1xi32>
        %add3A_92 = arith.constant 4 : i32
        %add3A_93 = arith.addi %add3A_41, %add3A_92 : i32
        %dma_start3A_94 = arith.constant 0 : i32
        %dma_start3A_95 = tpu.memref_slice %arg8[%add3A_93, %dma_start3A_94] : memref<256x64xf32, #tpu.memory_space<vmem>> -> memref<1x64xf32, #tpu.memory_space<vmem>>
        %dma_start3A_96 = arith.constant 0 : i32
        %dma_start3A_97 = tpu.memref_slice %arg2[%squeeze3A_91, %dma_start3A_96] : memref<1000000x64xf32, #tpu.memory_space<hbm>> -> memref<1x64xf32, #tpu.memory_space<hbm>>
        %dma_start3A_98 = arith.constant 0 : i32
        %dma_start3A_99 = tpu.memref_slice %arg8[%add3A_93, %dma_start3A_98] : memref<256x64xf32, #tpu.memory_space<vmem>> -> memref<1x64xf32, #tpu.memory_space<vmem>>
        %dma_start3A_100 = arith.constant 0 : i32
        %dma_start3A_101 = tpu.memref_slice %arg2[%squeeze3A_91, %dma_start3A_100] : memref<1000000x64xf32, #tpu.memory_space<hbm>> -> memref<1x64xf32, #tpu.memory_space<hbm>>
        tpu.enqueue_dma source(%dma_start3A_101 : memref<1x64xf32, #tpu.memory_space<hbm>>) target(%dma_start3A_99 : memref<1x64xf32, #tpu.memory_space<vmem>>) target_semaphore(%arg10 : memref<!tpu.dma_semaphore, #tpu.memory_space<semaphore_mem>>)
        %slice3A_102 = vector.extract_strided_slice %get3A_43 {offsets = [5], sizes = [1], strides = [1]} : vector<16xi32> to vector<1xi32>
        %squeeze3A_103 = vector.extract %slice3A_102[0] : i32 from vector<1xi32>
        %add3A_104 = arith.constant 5 : i32
        %add3A_105 = arith.addi %add3A_41, %add3A_104 : i32
        %dma_start3A_106 = arith.constant 0 : i32
        %dma_start3A_107 = tpu.memref_slice %arg8[%add3A_105, %dma_start3A_106] : memref<256x64xf32, #tpu.memory_space<vmem>> -> memref<1x64xf32, #tpu.memory_space<vmem>>
        %dma_start3A_108 = arith.constant 0 : i32
        %dma_start3A_109 = tpu.memref_slice %arg2[%squeeze3A_103, %dma_start3A_108] : memref<1000000x64xf32, #tpu.memory_space<hbm>> -> memref<1x64xf32, #tpu.memory_space<hbm>>
        %dma_start3A_110 = arith.constant 0 : i32
        %dma_start3A_111 = tpu.memref_slice %arg8[%add3A_105, %dma_start3A_110] : memref<256x64xf32, #tpu.memory_space<vmem>> -> memref<1x64xf32, #tpu.memory_space<vmem>>
        %dma_start3A_112 = arith.constant 0 : i32
        %dma_start3A_113 = tpu.memref_slice %arg2[%squeeze3A_103, %dma_start3A_112] : memref<1000000x64xf32, #tpu.memory_space<hbm>> -> memref<1x64xf32, #tpu.memory_space<hbm>>
        tpu.enqueue_dma source(%dma_start3A_113 : memref<1x64xf32, #tpu.memory_space<hbm>>) target(%dma_start3A_111 : memref<1x64xf32, #tpu.memory_space<vmem>>) target_semaphore(%arg10 : memref<!tpu.dma_semaphore, #tpu.memory_space<semaphore_mem>>)
        %slice3A_114 = vector.extract_strided_slice %get3A_43 {offsets = [6], sizes = [1], strides = [1]} : vector<16xi32> to vector<1xi32>
        %squeeze3A_115 = vector.extract %slice3A_114[0] : i32 from vector<1xi32>
        %add3A_116 = arith.constant 6 : i32
        %add3A_117 = arith.addi %add3A_41, %add3A_116 : i32
        %dma_start3A_118 = arith.constant 0 : i32
        %dma_start3A_119 = tpu.memref_slice %arg8[%add3A_117, %dma_start3A_118] : memref<256x64xf32, #tpu.memory_space<vmem>> -> memref<1x64xf32, #tpu.memory_space<vmem>>
        %dma_start3A_120 = arith.constant 0 : i32
        %dma_start3A_121 = tpu.memref_slice %arg2[%squeeze3A_115, %dma_start3A_120] : memref<1000000x64xf32, #tpu.memory_space<hbm>> -> memref<1x64xf32, #tpu.memory_space<hbm>>
        %dma_start3A_122 = arith.constant 0 : i32
        %dma_start3A_123 = tpu.memref_slice %arg8[%add3A_117, %dma_start3A_122] : memref<256x64xf32, #tpu.memory_space<vmem>> -> memref<1x64xf32, #tpu.memory_space<vmem>>
        %dma_start3A_124 = arith.constant 0 : i32
        %dma_start3A_125 = tpu.memref_slice %arg2[%squeeze3A_115, %dma_start3A_124] : memref<1000000x64xf32, #tpu.memory_space<hbm>> -> memref<1x64xf32, #tpu.memory_space<hbm>>
        tpu.enqueue_dma source(%dma_start3A_125 : memref<1x64xf32, #tpu.memory_space<hbm>>) target(%dma_start3A_123 : memref<1x64xf32, #tpu.memory_space<vmem>>) target_semaphore(%arg10 : memref<!tpu.dma_semaphore, #tpu.memory_space<semaphore_mem>>)
        %slice3A_126 = vector.extract_strided_slice %get3A_43 {offsets = [7], sizes = [1], strides = [1]} : vector<16xi32> to vector<1xi32>
        %squeeze3A_127 = vector.extract %slice3A_126[0] : i32 from vector<1xi32>
        %add3A_128 = arith.constant 7 : i32
        %add3A_129 = arith.addi %add3A_41, %add3A_128 : i32
        %dma_start3A_130 = arith.constant 0 : i32
        %dma_start3A_131 = tpu.memref_slice %arg8[%add3A_129, %dma_start3A_130] : memref<256x64xf32, #tpu.memory_space<vmem>> -> memref<1x64xf32, #tpu.memory_space<vmem>>
        %dma_start3A_132 = arith.constant 0 : i32
        %dma_start3A_133 = tpu.memref_slice %arg2[%squeeze3A_127, %dma_start3A_132] : memref<1000000x64xf32, #tpu.memory_space<hbm>> -> memref<1x64xf32, #tpu.memory_space<hbm>>
        %dma_start3A_134 = arith.constant 0 : i32
        %dma_start3A_135 = tpu.memref_slice %arg8[%add3A_129, %dma_start3A_134] : memref<256x64xf32, #tpu.memory_space<vmem>> -> memref<1x64xf32, #tpu.memory_space<vmem>>
        %dma_start3A_136 = arith.constant 0 : i32
        %dma_start3A_137 = tpu.memref_slice %arg2[%squeeze3A_127, %dma_start3A_136] : memref<1000000x64xf32, #tpu.memory_space<hbm>> -> memref<1x64xf32, #tpu.memory_space<hbm>>
        tpu.enqueue_dma source(%dma_start3A_137 : memref<1x64xf32, #tpu.memory_space<hbm>>) target(%dma_start3A_135 : memref<1x64xf32, #tpu.memory_space<vmem>>) target_semaphore(%arg10 : memref<!tpu.dma_semaphore, #tpu.memory_space<semaphore_mem>>)
        %slice3A_138 = vector.extract_strided_slice %get3A_43 {offsets = [8], sizes = [1], strides = [1]} : vector<16xi32> to vector<1xi32>
        %squeeze3A_139 = vector.extract %slice3A_138[0] : i32 from vector<1xi32>
        %add3A_140 = arith.constant 8 : i32
        %add3A_141 = arith.addi %add3A_41, %add3A_140 : i32
        %dma_start3A_142 = arith.constant 0 : i32
        %dma_start3A_143 = tpu.memref_slice %arg8[%add3A_141, %dma_start3A_142] : memref<256x64xf32, #tpu.memory_space<vmem>> -> memref<1x64xf32, #tpu.memory_space<vmem>>
        %dma_start3A_144 = arith.constant 0 : i32
        %dma_start3A_145 = tpu.memref_slice %arg2[%squeeze3A_139, %dma_start3A_144] : memref<1000000x64xf32, #tpu.memory_space<hbm>> -> memref<1x64xf32, #tpu.memory_space<hbm>>
        %dma_start3A_146 = arith.constant 0 : i32
        %dma_start3A_147 = tpu.memref_slice %arg8[%add3A_141, %dma_start3A_146] : memref<256x64xf32, #tpu.memory_space<vmem>> -> memref<1x64xf32, #tpu.memory_space<vmem>>
        %dma_start3A_148 = arith.constant 0 : i32
        %dma_start3A_149 = tpu.memref_slice %arg2[%squeeze3A_139, %dma_start3A_148] : memref<1000000x64xf32, #tpu.memory_space<hbm>> -> memref<1x64xf32, #tpu.memory_space<hbm>>
        tpu.enqueue_dma source(%dma_start3A_149 : memref<1x64xf32, #tpu.memory_space<hbm>>) target(%dma_start3A_147 : memref<1x64xf32, #tpu.memory_space<vmem>>) target_semaphore(%arg10 : memref<!tpu.dma_semaphore, #tpu.memory_space<semaphore_mem>>)
        %slice3A_150 = vector.extract_strided_slice %get3A_43 {offsets = [9], sizes = [1], strides = [1]} : vector<16xi32> to vector<1xi32>
        %squeeze3A_151 = vector.extract %slice3A_150[0] : i32 from vector<1xi32>
        %add3A_152 = arith.constant 9 : i32
        %add3A_153 = arith.addi %add3A_41, %add3A_152 : i32
        %dma_start3A_154 = arith.constant 0 : i32
        %dma_start3A_155 = tpu.memref_slice %arg8[%add3A_153, %dma_start3A_154] : memref<256x64xf32, #tpu.memory_space<vmem>> -> memref<1x64xf32, #tpu.memory_space<vmem>>
        %dma_start3A_156 = arith.constant 0 : i32
        %dma_start3A_157 = tpu.memref_slice %arg2[%squeeze3A_151, %dma_start3A_156] : memref<1000000x64xf32, #tpu.memory_space<hbm>> -> memref<1x64xf32, #tpu.memory_space<hbm>>
        %dma_start3A_158 = arith.constant 0 : i32
        %dma_start3A_159 = tpu.memref_slice %arg8[%add3A_153, %dma_start3A_158] : memref<256x64xf32, #tpu.memory_space<vmem>> -> memref<1x64xf32, #tpu.memory_space<vmem>>
        %dma_start3A_160 = arith.constant 0 : i32
        %dma_start3A_161 = tpu.memref_slice %arg2[%squeeze3A_151, %dma_start3A_160] : memref<1000000x64xf32, #tpu.memory_space<hbm>> -> memref<1x64xf32, #tpu.memory_space<hbm>>
        tpu.enqueue_dma source(%dma_start3A_161 : memref<1x64xf32, #tpu.memory_space<hbm>>) target(%dma_start3A_159 : memref<1x64xf32, #tpu.memory_space<vmem>>) target_semaphore(%arg10 : memref<!tpu.dma_semaphore, #tpu.memory_space<semaphore_mem>>)
        %slice3A_162 = vector.extract_strided_slice %get3A_43 {offsets = [10], sizes = [1], strides = [1]} : vector<16xi32> to vector<1xi32>
        %squeeze3A_163 = vector.extract %slice3A_162[0] : i32 from vector<1xi32>
        %add3A_164 = arith.constant 10 : i32
        %add3A_165 = arith.addi %add3A_41, %add3A_164 : i32
        %dma_start3A_166 = arith.constant 0 : i32
        %dma_start3A_167 = tpu.memref_slice %arg8[%add3A_165, %dma_start3A_166] : memref<256x64xf32, #tpu.memory_space<vmem>> -> memref<1x64xf32, #tpu.memory_space<vmem>>
        %dma_start3A_168 = arith.constant 0 : i32
        %dma_start3A_169 = tpu.memref_slice %arg2[%squeeze3A_163, %dma_start3A_168] : memref<1000000x64xf32, #tpu.memory_space<hbm>> -> memref<1x64xf32, #tpu.memory_space<hbm>>
        %dma_start3A_170 = arith.constant 0 : i32
        %dma_start3A_171 = tpu.memref_slice %arg8[%add3A_165, %dma_start3A_170] : memref<256x64xf32, #tpu.memory_space<vmem>> -> memref<1x64xf32, #tpu.memory_space<vmem>>
        %dma_start3A_172 = arith.constant 0 : i32
        %dma_start3A_173 = tpu.memref_slice %arg2[%squeeze3A_163, %dma_start3A_172] : memref<1000000x64xf32, #tpu.memory_space<hbm>> -> memref<1x64xf32, #tpu.memory_space<hbm>>
        tpu.enqueue_dma source(%dma_start3A_173 : memref<1x64xf32, #tpu.memory_space<hbm>>) target(%dma_start3A_171 : memref<1x64xf32, #tpu.memory_space<vmem>>) target_semaphore(%arg10 : memref<!tpu.dma_semaphore, #tpu.memory_space<semaphore_mem>>)
        %slice3A_174 = vector.extract_strided_slice %get3A_43 {offsets = [11], sizes = [1], strides = [1]} : vector<16xi32> to vector<1xi32>
        %squeeze3A_175 = vector.extract %slice3A_174[0] : i32 from vector<1xi32>
        %add3A_176 = arith.constant 11 : i32
        %add3A_177 = arith.addi %add3A_41, %add3A_176 : i32
        %dma_start3A_178 = arith.constant 0 : i32
        %dma_start3A_179 = tpu.memref_slice %arg8[%add3A_177, %dma_start3A_178] : memref<256x64xf32, #tpu.memory_space<vmem>> -> memref<1x64xf32, #tpu.memory_space<vmem>>
        %dma_start3A_180 = arith.constant 0 : i32
        %dma_start3A_181 = tpu.memref_slice %arg2[%squeeze3A_175, %dma_start3A_180] : memref<1000000x64xf32, #tpu.memory_space<hbm>> -> memref<1x64xf32, #tpu.memory_space<hbm>>
        %dma_start3A_182 = arith.constant 0 : i32
        %dma_start3A_183 = tpu.memref_slice %arg8[%add3A_177, %dma_start3A_182] : memref<256x64xf32, #tpu.memory_space<vmem>> -> memref<1x64xf32, #tpu.memory_space<vmem>>
        %dma_start3A_184 = arith.constant 0 : i32
        %dma_start3A_185 = tpu.memref_slice %arg2[%squeeze3A_175, %dma_start3A_184] : memref<1000000x64xf32, #tpu.memory_space<hbm>> -> memref<1x64xf32, #tpu.memory_space<hbm>>
        tpu.enqueue_dma source(%dma_start3A_185 : memref<1x64xf32, #tpu.memory_space<hbm>>) target(%dma_start3A_183 : memref<1x64xf32, #tpu.memory_space<vmem>>) target_semaphore(%arg10 : memref<!tpu.dma_semaphore, #tpu.memory_space<semaphore_mem>>)
        %slice3A_186 = vector.extract_strided_slice %get3A_43 {offsets = [12], sizes = [1], strides = [1]} : vector<16xi32> to vector<1xi32>
        %squeeze3A_187 = vector.extract %slice3A_186[0] : i32 from vector<1xi32>
        %add3A_188 = arith.constant 12 : i32
        %add3A_189 = arith.addi %add3A_41, %add3A_188 : i32
        %dma_start3A_190 = arith.constant 0 : i32
        %dma_start3A_191 = tpu.memref_slice %arg8[%add3A_189, %dma_start3A_190] : memref<256x64xf32, #tpu.memory_space<vmem>> -> memref<1x64xf32, #tpu.memory_space<vmem>>
        %dma_start3A_192 = arith.constant 0 : i32
        %dma_start3A_193 = tpu.memref_slice %arg2[%squeeze3A_187, %dma_start3A_192] : memref<1000000x64xf32, #tpu.memory_space<hbm>> -> memref<1x64xf32, #tpu.memory_space<hbm>>
        %dma_start3A_194 = arith.constant 0 : i32
        %dma_start3A_195 = tpu.memref_slice %arg8[%add3A_189, %dma_start3A_194] : memref<256x64xf32, #tpu.memory_space<vmem>> -> memref<1x64xf32, #tpu.memory_space<vmem>>
        %dma_start3A_196 = arith.constant 0 : i32
        %dma_start3A_197 = tpu.memref_slice %arg2[%squeeze3A_187, %dma_start3A_196] : memref<1000000x64xf32, #tpu.memory_space<hbm>> -> memref<1x64xf32, #tpu.memory_space<hbm>>
        tpu.enqueue_dma source(%dma_start3A_197 : memref<1x64xf32, #tpu.memory_space<hbm>>) target(%dma_start3A_195 : memref<1x64xf32, #tpu.memory_space<vmem>>) target_semaphore(%arg10 : memref<!tpu.dma_semaphore, #tpu.memory_space<semaphore_mem>>)
        %slice3A_198 = vector.extract_strided_slice %get3A_43 {offsets = [13], sizes = [1], strides = [1]} : vector<16xi32> to vector<1xi32>
        %squeeze3A_199 = vector.extract %slice3A_198[0] : i32 from vector<1xi32>
        %add3A_200 = arith.constant 13 : i32
        %add3A_201 = arith.addi %add3A_41, %add3A_200 : i32
        %dma_start3A_202 = arith.constant 0 : i32
        %dma_start3A_203 = tpu.memref_slice %arg8[%add3A_201, %dma_start3A_202] : memref<256x64xf32, #tpu.memory_space<vmem>> -> memref<1x64xf32, #tpu.memory_space<vmem>>
        %dma_start3A_204 = arith.constant 0 : i32
        %dma_start3A_205 = tpu.memref_slice %arg2[%squeeze3A_199, %dma_start3A_204] : memref<1000000x64xf32, #tpu.memory_space<hbm>> -> memref<1x64xf32, #tpu.memory_space<hbm>>
        %dma_start3A_206 = arith.constant 0 : i32
        %dma_start3A_207 = tpu.memref_slice %arg8[%add3A_201, %dma_start3A_206] : memref<256x64xf32, #tpu.memory_space<vmem>> -> memref<1x64xf32, #tpu.memory_space<vmem>>
        %dma_start3A_208 = arith.constant 0 : i32
        %dma_start3A_209 = tpu.memref_slice %arg2[%squeeze3A_199, %dma_start3A_208] : memref<1000000x64xf32, #tpu.memory_space<hbm>> -> memref<1x64xf32, #tpu.memory_space<hbm>>
        tpu.enqueue_dma source(%dma_start3A_209 : memref<1x64xf32, #tpu.memory_space<hbm>>) target(%dma_start3A_207 : memref<1x64xf32, #tpu.memory_space<vmem>>) target_semaphore(%arg10 : memref<!tpu.dma_semaphore, #tpu.memory_space<semaphore_mem>>)
        %slice3A_210 = vector.extract_strided_slice %get3A_43 {offsets = [14], sizes = [1], strides = [1]} : vector<16xi32> to vector<1xi32>
        %squeeze3A_211 = vector.extract %slice3A_210[0] : i32 from vector<1xi32>
        %add3A_212 = arith.constant 14 : i32
        %add3A_213 = arith.addi %add3A_41, %add3A_212 : i32
        %dma_start3A_214 = arith.constant 0 : i32
        %dma_start3A_215 = tpu.memref_slice %arg8[%add3A_213, %dma_start3A_214] : memref<256x64xf32, #tpu.memory_space<vmem>> -> memref<1x64xf32, #tpu.memory_space<vmem>>
        %dma_start3A_216 = arith.constant 0 : i32
        %dma_start3A_217 = tpu.memref_slice %arg2[%squeeze3A_211, %dma_start3A_216] : memref<1000000x64xf32, #tpu.memory_space<hbm>> -> memref<1x64xf32, #tpu.memory_space<hbm>>
        %dma_start3A_218 = arith.constant 0 : i32
        %dma_start3A_219 = tpu.memref_slice %arg8[%add3A_213, %dma_start3A_218] : memref<256x64xf32, #tpu.memory_space<vmem>> -> memref<1x64xf32, #tpu.memory_space<vmem>>
        %dma_start3A_220 = arith.constant 0 : i32
        %dma_start3A_221 = tpu.memref_slice %arg2[%squeeze3A_211, %dma_start3A_220] : memref<1000000x64xf32, #tpu.memory_space<hbm>> -> memref<1x64xf32, #tpu.memory_space<hbm>>
        tpu.enqueue_dma source(%dma_start3A_221 : memref<1x64xf32, #tpu.memory_space<hbm>>) target(%dma_start3A_219 : memref<1x64xf32, #tpu.memory_space<vmem>>) target_semaphore(%arg10 : memref<!tpu.dma_semaphore, #tpu.memory_space<semaphore_mem>>)
        %slice3A_222 = vector.extract_strided_slice %get3A_43 {offsets = [15], sizes = [1], strides = [1]} : vector<16xi32> to vector<1xi32>
        %squeeze3A_223 = vector.extract %slice3A_222[0] : i32 from vector<1xi32>
        %add3A_224 = arith.constant 15 : i32
        %add3A_225 = arith.addi %add3A_41, %add3A_224 : i32
        %dma_start3A_226 = arith.constant 0 : i32
        %dma_start3A_227 = tpu.memref_slice %arg8[%add3A_225, %dma_start3A_226] : memref<256x64xf32, #tpu.memory_space<vmem>> -> memref<1x64xf32, #tpu.memory_space<vmem>>
        %dma_start3A_228 = arith.constant 0 : i32
        %dma_start3A_229 = tpu.memref_slice %arg2[%squeeze3A_223, %dma_start3A_228] : memref<1000000x64xf32, #tpu.memory_space<hbm>> -> memref<1x64xf32, #tpu.memory_space<hbm>>
        %dma_start3A_230 = arith.constant 0 : i32
        %dma_start3A_231 = tpu.memref_slice %arg8[%add3A_225, %dma_start3A_230] : memref<256x64xf32, #tpu.memory_space<vmem>> -> memref<1x64xf32, #tpu.memory_space<vmem>>
        %dma_start3A_232 = arith.constant 0 : i32
        %dma_start3A_233 = tpu.memref_slice %arg2[%squeeze3A_223, %dma_start3A_232] : memref<1000000x64xf32, #tpu.memory_space<hbm>> -> memref<1x64xf32, #tpu.memory_space<hbm>>
        tpu.enqueue_dma source(%dma_start3A_233 : memref<1x64xf32, #tpu.memory_space<hbm>>) target(%dma_start3A_231 : memref<1x64xf32, #tpu.memory_space<vmem>>) target_semaphore(%arg10 : memref<!tpu.dma_semaphore, #tpu.memory_space<semaphore_mem>>)
      }
      %scan3A_30 = arith.constant 16 : i32
      %dma_wait3A_31 = arith.constant 0 : i32
      %dma_wait3A_32 = arith.constant 0 : i32
      %dma_wait3A_33 = tpu.memref_slice %arg2[%dma_wait3A_31, %dma_wait3A_32] : memref<1000000x64xf32, #tpu.memory_space<hbm>> -> memref<256x64xf32, #tpu.memory_space<hbm>>
      %dma_wait3A_34 = arith.constant 0 : i32
      %dma_wait3A_35 = arith.constant 0 : i32
      %dma_wait3A_36 = tpu.memref_slice %arg2[%dma_wait3A_34, %dma_wait3A_35] : memref<1000000x64xf32, #tpu.memory_space<hbm>> -> memref<256x64xf32, #tpu.memory_space<hbm>>
      tpu.wait_dma2 semaphore(%arg10 : memref<!tpu.dma_semaphore, #tpu.memory_space<semaphore_mem>>) src(%dma_wait3A_36 : memref<256x64xf32, #tpu.memory_space<hbm>>) dst(%arg8 : memref<256x64xf32, #tpu.memory_space<vmem>>)
      "tpu.region"() ({
        %run_scoped3A = tpu.sem_alloc : memref<!tpu.dma_semaphore, #tpu.memory_space<semaphore_mem>>
        %dma_start3A_37 = arith.constant 0 : i32
        %dma_start3A_38 = tpu.memref_slice %arg6[%add3A_23, %dma_start3A_37] : memref<327680x64xf32, #tpu.memory_space<hbm>> -> memref<256x64xf32, #tpu.memory_space<hbm>>
        %dma_start3A_39 = arith.constant 0 : i32
        %dma_start3A_40 = tpu.memref_slice %arg6[%add3A_23, %dma_start3A_39] : memref<327680x64xf32, #tpu.memory_space<hbm>> -> memref<256x64xf32, #tpu.memory_space<hbm>>
        tpu.enqueue_dma source(%arg8 : memref<256x64xf32, #tpu.memory_space<vmem>>) target(%dma_start3A_40 : memref<256x64xf32, #tpu.memory_space<hbm>>) target_semaphore(%run_scoped3A : memref<!tpu.dma_semaphore, #tpu.memory_space<semaphore_mem>>)
        %dma_wait3A_41 = arith.constant 0 : i32
        %dma_wait3A_42 = tpu.memref_slice %arg6[%add3A_23, %dma_wait3A_41] : memref<327680x64xf32, #tpu.memory_space<hbm>> -> memref<256x64xf32, #tpu.memory_space<hbm>>
        %dma_wait3A_43 = arith.constant 0 : i32
        %dma_wait3A_44 = tpu.memref_slice %arg6[%add3A_23, %dma_wait3A_43] : memref<327680x64xf32, #tpu.memory_space<hbm>> -> memref<256x64xf32, #tpu.memory_space<hbm>>
        tpu.wait_dma2 semaphore(%run_scoped3A : memref<!tpu.dma_semaphore, #tpu.memory_space<semaphore_mem>>) src(%arg8 : memref<256x64xf32, #tpu.memory_space<vmem>>) dst(%dma_wait3A_44 : memref<256x64xf32, #tpu.memory_space<hbm>>)
        tpu.yield
      }) : () -> ()
    }
    %scan3A_15 = arith.constant 40 : i32
    return
  }
}

module attributes {stable_mosaic.version = 14 : i64} {
  func.func @_tc_body(%arg0: i32, %arg1: memref<1024x64xf32, #tpu.memory_space<vmem>>, %arg2: memref<1024x64xf32, #tpu.memory_space<vmem>>, %arg3: memref<20480x64xf32, #tpu.memory_space<vmem>>, %arg4: memref<1x1x128xf32, #tpu.memory_space<vmem>>) attributes {dimension_semantics = [#tpu.dimension_semantics<parallel>], iteration_bounds = array<i64: 16>, scalar_prefetch = 0 : i64, scratch_operands = 0 : i64, tpu.core_type = #tpu.core_type<tc>, window_params = [{transform_indices = @transform_0, window_bounds = array<i64: 1024, 64>}, {transform_indices = @transform_1, window_bounds = array<i64: 1024, 64>}, {transform_indices = @transform_2, window_bounds = array<i64: 20480, 64>}, {transform_indices = @transform_3, window_bounds = array<i64: 1, 1, 128>}]} {
    %get3A = arith.constant 0 : index
    %get3A_0 = arith.constant 0 : index
    %get3A_1 = vector.load %arg1[%get3A, %get3A_0] : memref<1024x64xf32, #tpu.memory_space<vmem>>, vector<1024x64xf32>
    %get3A_2 = arith.constant 0 : index
    %get3A_3 = arith.constant 0 : index
    %get3A_4 = vector.load %arg2[%get3A_2, %get3A_3] : memref<1024x64xf32, #tpu.memory_space<vmem>>, vector<1024x64xf32>
    %get3A_5 = arith.constant 0 : index
    %get3A_6 = arith.constant 0 : index
    %get3A_7 = vector.load %arg3[%get3A_5, %get3A_6] : memref<20480x64xf32, #tpu.memory_space<vmem>>, vector<20480x64xf32>
    %broadcast_in_dim3A = arith.constant 1.000000e+00 : f32
    %broadcast_in_dim3A_8 = vector.broadcast %broadcast_in_dim3A : f32 to vector<64x128xf32>
    %reshape3A = vector.shape_cast %get3A_7 : vector<20480x64xf32> to vector<1024x20x64xf32>
    %broadcast_in_dim3A_9 = vector.shape_cast %get3A_1 : vector<1024x64xf32> to vector<1024x1x64xf32>
    %mul3A = vector.broadcast %broadcast_in_dim3A_9 : vector<1024x1x64xf32> to vector<1024x20x64xf32>
    %mul3A_10 = arith.mulf %reshape3A, %mul3A : vector<1024x20x64xf32>
    %mul3A_11 = arith.mulf %get3A_1, %get3A_4 : vector<1024x64xf32>
    %dot_general3A = arith.constant dense<0.000000e+00> : vector<1024x128xf32>
    %dot_general3A_12 = tpu.matmul %mul3A_11, %broadcast_in_dim3A_8, %dot_general3A {dimension_numbers = #tpu.dot_dimension_numbers<[1], [0], [0], [1], [0, 0, 1, 1], [], []>, transpose_lhs_hint = false} : vector<1024x64xf32>, vector<64x128xf32>, vector<1024x128xf32> -> vector<1024x128xf32>
    %slice3A = vector.extract_strided_slice %dot_general3A_12 {offsets = [0, 0], sizes = [1024, 1], strides = [1, 1]} : vector<1024x128xf32> to vector<1024x1xf32>
    %reshape3A_13 = vector.shape_cast %mul3A_10 : vector<1024x20x64xf32> to vector<20480x64xf32>
    %dot_general3A_14 = arith.constant dense<0.000000e+00> : vector<20480x128xf32>
    %dot_general3A_15 = tpu.matmul %reshape3A_13, %broadcast_in_dim3A_8, %dot_general3A_14 {dimension_numbers = #tpu.dot_dimension_numbers<[1], [0], [0], [1], [0, 0, 1, 1], [], []>, transpose_lhs_hint = false} : vector<20480x64xf32>, vector<64x128xf32>, vector<20480x128xf32> -> vector<20480x128xf32>
    %slice3A_16 = vector.extract_strided_slice %dot_general3A_15 {offsets = [0, 0], sizes = [20480, 1], strides = [1, 1]} : vector<20480x128xf32> to vector<20480x1xf32>
    %neg3A = arith.constant 0.000000e+00 : f32
    %neg3A_17 = vector.broadcast %neg3A : f32 to vector<1024x1xf32>
    %neg3A_18 = arith.subf %neg3A_17, %slice3A : vector<1024x1xf32>
    %mul3A_19 = arith.constant 1.44269502 : f32
    %mul3A_20 = vector.broadcast %mul3A_19 : f32 to vector<1024x1xf32>
    %mul3A_21 = arith.mulf %neg3A_18, %mul3A_20 : vector<1024x1xf32>
    %exp23A = math.exp2 %mul3A_21 : vector<1024x1xf32>
    %add3A = arith.constant 1.000000e+00 : f32
    %add3A_22 = vector.broadcast %add3A : f32 to vector<1024x1xf32>
    %add3A_23 = arith.addf %add3A_22, %exp23A : vector<1024x1xf32>
    %log3A = math.log %add3A_23 : vector<1024x1xf32>
    %log3A_24 = arith.constant 2.000000e+00 : f32
    %log3A_25 = math.log %log3A_24 : f32
    %div3A = vector.broadcast %log3A_25 : f32 to vector<1024x1xf32>
    %div3A_26 = arith.divf %log3A, %div3A : vector<1024x1xf32>
    %mul3A_27 = arith.constant 0.693147182 : f32
    %mul3A_28 = vector.broadcast %mul3A_27 : f32 to vector<1024x1xf32>
    %mul3A_29 = arith.mulf %div3A_26, %mul3A_28 : vector<1024x1xf32>
    %reduce_sum3A = vector.shape_cast %mul3A_29 : vector<1024x1xf32> to vector<1x1024x1xf32>
    %reduce_sum3A_30 = arith.constant dense<0.000000e+00> : vector<1xf32>
    %reduce_sum3A_31 = vector.multi_reduction <add>, %reduce_sum3A, %reduce_sum3A_30 [1, 2] : vector<1x1024x1xf32> to vector<1xf32>
    %reduce_sum3A_32 = vector.shape_cast %reduce_sum3A_31 : vector<1xf32> to vector<1x1x1xf32>
    %reduce_sum3A_33 = vector.extract %reduce_sum3A_32[0, 0, 0] : f32 from vector<1x1x1xf32>
    %mul3A_34 = arith.constant 1.44269502 : f32
    %mul3A_35 = vector.broadcast %mul3A_34 : f32 to vector<20480x1xf32>
    %mul3A_36 = arith.mulf %slice3A_16, %mul3A_35 : vector<20480x1xf32>
    %exp23A_37 = math.exp2 %mul3A_36 : vector<20480x1xf32>
    %add3A_38 = arith.constant 1.000000e+00 : f32
    %add3A_39 = vector.broadcast %add3A_38 : f32 to vector<20480x1xf32>
    %add3A_40 = arith.addf %add3A_39, %exp23A_37 : vector<20480x1xf32>
    %log3A_41 = math.log %add3A_40 : vector<20480x1xf32>
    %log3A_42 = arith.constant 2.000000e+00 : f32
    %log3A_43 = math.log %log3A_42 : f32
    %div3A_44 = vector.broadcast %log3A_43 : f32 to vector<20480x1xf32>
    %div3A_45 = arith.divf %log3A_41, %div3A_44 : vector<20480x1xf32>
    %mul3A_46 = arith.constant 0.693147182 : f32
    %mul3A_47 = vector.broadcast %mul3A_46 : f32 to vector<20480x1xf32>
    %mul3A_48 = arith.mulf %div3A_45, %mul3A_47 : vector<20480x1xf32>
    %reduce_sum3A_49 = vector.shape_cast %mul3A_48 : vector<20480x1xf32> to vector<1x20480x1xf32>
    %reduce_sum3A_50 = arith.constant dense<0.000000e+00> : vector<1xf32>
    %reduce_sum3A_51 = vector.multi_reduction <add>, %reduce_sum3A_49, %reduce_sum3A_50 [1, 2] : vector<1x20480x1xf32> to vector<1xf32>
    %reduce_sum3A_52 = vector.shape_cast %reduce_sum3A_51 : vector<1xf32> to vector<1x1x1xf32>
    %reduce_sum3A_53 = vector.extract %reduce_sum3A_52[0, 0, 0] : f32 from vector<1x1x1xf32>
    %add3A_54 = arith.addf %reduce_sum3A_33, %reduce_sum3A_53 : f32
    %broadcast_in_dim3A_55 = vector.broadcast %add3A_54 : f32 to vector<1x1x128xf32>
    %swap3A = arith.constant 0 : index
    %swap3A_56 = arith.constant 0 : index
    %swap3A_57 = arith.constant 0 : index
    %swap3A_58 = vector.load %arg4[%swap3A, %swap3A_56, %swap3A_57] : memref<1x1x128xf32, #tpu.memory_space<vmem>>, vector<1x1x128xf32>
    tpu.vector_store %arg4[%swap3A, %swap3A_56, %swap3A_57], %broadcast_in_dim3A_55 {strides = array<i32>} : memref<1x1x128xf32, #tpu.memory_space<vmem>>, vector<1x1x128xf32>,
    return
  }
  func.func @transform_0(%arg0: i32) -> (i32, i32) {
    %c0_i32 = arith.constant 0 : i32
    %c0_i32_0 = arith.constant 0 : i32
    return %arg0, %c0_i32 : i32, i32
  }
  func.func @transform_1(%arg0: i32) -> (i32, i32) {
    %c0_i32 = arith.constant 0 : i32
    %c0_i32_0 = arith.constant 0 : i32
    return %arg0, %c0_i32 : i32, i32
  }
  func.func @transform_2(%arg0: i32) -> (i32, i32) {
    %c0_i32 = arith.constant 0 : i32
    %c0_i32_0 = arith.constant 0 : i32
    return %arg0, %c0_i32 : i32, i32
  }
  func.func @transform_3(%arg0: i32) -> (i32, i32, i32) {
    %c0_i32 = arith.constant 0 : i32
    %c0_i32_0 = arith.constant 0 : i32
    %c0_i32_1 = arith.constant 0 : i32
    return %arg0, %c0_i32, %c0_i32_0 : i32, i32, i32
  }
}

</mosaic_0001>

<sc_bundles>
// kernel: kernel.5.cloned.1.call-start
scs
__scs_entry_jumppad:
0x0: {  	(pc) =	sbr.rel $0x88, $3  }
0x1: {  	(tag) =	ssettag $0x0;
	lr =	simm.s32 $0x1  }
0x2: {  	[smem:$0x3F9C] =	sst lr;
	_ =	strace $0xD0000000  }
0x3: {  	_ = 	snop  }
0x4: {  	_ = 	snop  }
0x5: {  	_ = 	snop  }
0x6: {  	_ = 	snop  }
0x7: {  	_ = 	snop  }
__scs_overlays_trampoline_lowered:
0x8: {  	[smem:$0x3FAB] =	sst s0  }
0x9: {  	[smem:$0x3FAC] =	sst s1  }
0xa: {  	[smem:$0x3FAD] =	sst s2  }
0xb: {  	[smem:$0x3FAE] =	sst s3  }
0xc: {  	[smem:$0x3FAF] =	sst s4  }
0xd: {  	[smem:$0x3FB0] =	sst s5  }
0xe: {  	[smem:$0x3FB1] =	sst s6  }
0xf: {  	[smem:$0x3FB2] =	sst s7  }
0x10: {  	[smem:$0x3FB3] =	sst s8  }
0x11: {  	[smem:$0x3FB4] =	sst s9;
	s0 =	simm.s32 @!p0 $0x0  }
0x12: {  	s1 =	sld [smem:$0x3F9A];
	s0 =	simm.s32 @p0 $0x1  }
0x13: {  	[smem:$0x3FB5] =	sst s0;
	s0 =	simm.s32 @!p1 $0x0  }
0x14: {  	s2 =	sld [smem:$0x3F99];
	s0 =	simm.s32 @p1 $0x1  }
0x15: {  	[smem:$0x3FB6] =	sst s0;
	s0 =	simm.s32 @!p2 $0x0  }
0x16: {  	s3 =	sld [smem:$0x3FDB];
	s0 =	simm.s32 @p2 $0x1  }
0x17: {  	s4 =	simm.s32 $0x1BF5;
	[smem:$0x3FB8] =	sst s0  }
0x18: {  	s0 =	sld [smem:$0x3F9B];
	_ =	swait.ge [sflag:s4], $0x0  }
0x19: {  	s7 =	sld [smem:$0x3F9C]  }
0x1a: {  	s8 =	sadd.s32 $0xFFFFE003, lr  }
0x1b: {  	s9 =	sadd.s32 $0xFFFFFEF7, lr;
	s5 =	simm.s32 $0xFFFFFFFF;
	p2 =	slt.u32 s8, $0xFFFFF086  }
0x1c: {  	p1 =	slt.u32 s9, $0xF7A;
	s5 =	simm.s32 @!p2 $0x0  }
0x1d: {  	s5 =	simm.s32 @p1 $0x1;
	p0 =	seq.s32 s7, s2  }
0x1e: {  	s7 =	smul.u32 @!p0 $0xF7A, s2;
	p2 =	seq.s32 @!p0 s5, $0x0  }
0x1f: {  	s9 =	smul.u32 $0xF7A, s1;
	s8 =	simm.s32 @!p0 $0x1BF5;
	p2 =	por !p2, p0  }
0x20: {  	[sflag:s8] =	ssyncset.s32 @!p0 $0xFFFFF086;
	s6 =	sadd.s32 @!p0 s3, s7;
	s7 =	simm.s32 @!p0 $0x108  }
0x21: {  	s3 =	sadd.s32 s3, s9;
	s6 =	sadd.s32 @!p0 $0x88, s6;
	s7 =	simm.s32 @p2 $0x1082  }
0x22: {  	[simem:s7], [sflag:s8] =	dma.local @!p0 [hbm:s6], $0xF7A  }
0x23: {  	s9 =	sor.u32 $0xD0000000, s2;
	s6 =	simm.s32 $0x108;
	_ =	swait.ge @!p0 [sflag:s8], $0x0  }
0x24: {  	s3 =	sadd.s32 $0x88, s3;
	s6 =	simm.s32 @!p1 $0x1082;
	[sflag:s4] =	ssyncset.s32 $0xFFFFF086  }
0x25: {  	[simem:s6], [sflag:s4] =	dma.local [hbm:s3], $0xF7A  }
0x26: {  	[smem:$0x3F9C] =	sst s1;
	(tag) =	ssettag s2;
	_ =	strace s9  }
0x27: {  	s1 =	sld [smem:$0x3FAC]  }
0x28: {  	s2 =	sld [smem:$0x3FAD]  }
0x29: {  	s4 =	sld [smem:$0x3FAF]  }
0x2a: {  	p0 =	seq.s32 s5, $0x0;
	s5 =	sld [smem:$0x3FB0]  }
0x2b: {  	s6 =	sld [smem:$0x3FB1]  }
0x2c: {  	s7 =	sld [smem:$0x3FB2]  }
0x2d: {  	s3 =	simm.s32 $0x108;
	s8 =	sld [smem:$0x3FB3]  }
0x2e: {  	s3 =	simm.s32 @!p0 $0x1082;
	s9 =	sld [smem:$0x3FB4]  }
0x2f: {  	lr =	sadd.s32 s0, s3;
	s0 =	sld [smem:$0x3FAB]  }
0x30: {  	s3 =	sld [smem:$0x3FAE]  }
0x31: {  	[smem:$0x3FB7] =	sst s10  }
0x32: {  	s10 =	sld [smem:$0x3FB5];
	_ =	sdelay $0x3  }
0x33: {  	p0 =	seq.s32 s10, $0x1;
	s10 =	sld [smem:$0x3FB7];
	_ =	sdelay $0x3  }
0x34: {  	[smem:$0x3FB7] =	sst s10  }
0x35: {  	s10 =	sld [smem:$0x3FB6];
	_ =	sdelay $0x3  }
0x36: {  	p1 =	seq.s32 s10, $0x1;
	s10 =	sld [smem:$0x3FB7];
	_ =	sdelay $0x3  }
0x37: {  	[smem:$0x3FB7] =	sst s10  }
0x38: {  	s10 =	sld [smem:$0x3FB8]  }
0x39: {  	_ = 	snop;
	(pc) =	sbr.ind lr, $3  }
0x3a: {  	_ = 	snop  }
0x3b: {  	_ = 	snop  }
0x3c: {  	p2 =	seq.s32 s10, $0x1;
	s10 =	sld [smem:$0x3FB7]  }
0x3d: {  	_ =	shalt  }
0x3e: {  	_ =	shalt  }
0x3f: {  	_ =	shalt  }
0x40: {  	_ =	shalt  }
0x41: {  	_ =	shalt  }
0x42: {  	_ =	shalt  }
0x43: {  	_ =	shalt  }
0x44: {  	_ =	shalt  }
0x45: {  	_ =	shalt  }
0x46: {  	_ =	shalt  }
0x47: {  	_ =	shalt  }
0x48: {  	_ =	shalt  }
0x49: {  	_ =	shalt  }
0x4a: {  	_ =	shalt  }
0x4b: {  	_ =	shalt  }
0x4c: {  	_ =	shalt  }
0x4d: {  	_ =	shalt  }
0x4e: {  	_ =	shalt  }
0x4f: {  	_ =	shalt  }
0x50: {  	_ =	shalt  }
0x51: {  	_ =	shalt  }
0x52: {  	_ =	shalt  }
0x53: {  	_ =	shalt  }
0x54: {  	_ =	shalt  }
0x55: {  	_ =	shalt  }
0x56: {  	_ =	shalt  }
0x57: {  	_ =	shalt  }
0x58: {  	_ =	shalt  }
0x59: {  	_ =	shalt  }
0x5a: {  	_ =	shalt  }
0x5b: {  	_ =	shalt  }
0x5c: {  	_ =	shalt  }
0x5d: {  	_ =	shalt  }
0x5e: {  	_ =	shalt  }
0x5f: {  	_ =	shalt  }
0x60: {  	_ =	shalt  }
0x61: {  	_ =	shalt  }
0x62: {  	_ =	shalt  }
0x63: {  	_ =	shalt  }
0x64: {  	_ =	shalt  }
0x65: {  	_ =	shalt  }
0x66: {  	_ =	shalt  }
0x67: {  	_ =	shalt  }
0x68: {  	_ =	shalt  }
0x69: {  	_ =	shalt  }
0x6a: {  	_ =	shalt  }
0x6b: {  	_ =	shalt  }
0x6c: {  	_ =	shalt  }
0x6d: {  	_ =	shalt  }
0x6e: {  	_ =	shalt  }
0x6f: {  	_ =	shalt  }
0x70: {  	_ =	shalt  }
0x71: {  	_ =	shalt  }
0x72: {  	_ =	shalt  }
0x73: {  	_ =	shalt  }
0x74: {  	_ =	shalt  }
0x75: {  	_ =	shalt  }
0x76: {  	_ =	shalt  }
0x77: {  	_ =	shalt  }
0x78: {  	_ =	shalt  }
0x79: {  	_ =	shalt  }
0x7a: {  	_ =	shalt  }
0x7b: {  	_ =	shalt  }
0x7c: {  	_ =	shalt  }
0x7d: {  	_ =	shalt  }
0x7e: {  	_ =	shalt  }
0x7f: {  	_ =	shalt  }
0x80: {  	_ =	shalt  }
0x81: {  	_ =	shalt  }
0x82: {  	_ =	shalt  }
0x83: {  	_ =	shalt  }
0x84: {  	_ =	shalt  }
0x85: {  	_ =	shalt  }
0x86: {  	_ =	shalt  }
0x87: {  	_ =	shalt  }
.Lfunc_end0:
.L_simem_size_0:
called_computation_lowered:
.L_overlay_start_0:
0x88: {  	s2 =	sld [smem:$0x3FD9]  }
0x89: {  	s3 =	sld [smem:$0x3FFE];
	_ =	sdelay $0x1  }
0x8a: {  	s1 =	srdreg.scid  }
0x8b: {  	s0 =	sand.u32 $0x1, s1  }
0x8c: {  	s17 =	sshll.u32 s0, $0xA;
	s2 =	sadd.s32 s3, s2  }
0x8d: {  	s2 =	sadd.s32 s2, s17  }
0x8e: {  	[smem:$0x3FC3] =	sst s2  }
0x8f: {  	_ = 	snop  }
0x90: {  	s18 =	sld [smem:$0x3FC7];
	(tm) =	ssettm $0x1  }
0x91: {  	s19 =	sld [smem:$0x3FFB];
	_ =	sdelay $0x3  }
0x92: {  	_ =	strace s19  }
0x93: {  	s2 =	sld [smem:$0x3FFC];
	_ =	sdelay $0x3  }
0x94: {  	_ =	strace s2  }
0x95: {  	s2 =	sld [smem:$0x3FFD];
	_ =	sdelay $0x3  }
0x96: {  	_ =	strace s2  }
0x97: {  	_ =	strace $0x8FFFFFFF  }
0x98: {  	s20 =	sld [smem:$0x3FDB];
	_ =	sdelay $0x1  }
0x99: {  	s4 =	simm.s32 $_scs_section_size  }
0x9a: {  	s5 =	simm.s32 $_size__tile_overlayer_lowered;
	s6 =	simm.s32 $_tile_overlayer_lowered  }
0x9b: {  	s7 =	simm.s32 $0x1BFF;
	s21 =	sshll.u32 s6, $0x1;
	s4 =	sadd.s32 s4, s20  }
0x9c: {  	s22 =	simm.s32 $0x0;
	s5 =	sshll.u32 s5, $0x1;
	s6 =	sadd.s32 s21, s4  }
0x9d: {  	[timem:s22], [sflag:s7] =	dma.local [hbm:s6], s5  }
0x9e: {  	_ =	swait.ge [sflag:s7], s5  }
0x9f: {  	s5 =	ssub.s32 $0x0, s5;
	[sflag:s7] =	ssyncset.done $0x0  }
0xa0: {  	[sflag:s7] =	ssyncadd.s32 s5;
	_ =	sdelay $0x1  }
0xa1: {  	s23 =	simm.s32 $0x1B8B  }
0xa2: {  	_ =	swait.ge [sflag:s23], $0x1  }
0xa3: {  	[sflag:s23] =	ssyncset.done $0x0  }
0xa4: {  	[sflag:s23] =	ssyncadd.s32 $0xFFFFFFFF  }
0xa5: {  	s5 =	sld [smem:$0x0]  }
0xa6: {  	s6 =	sand.u32 $0xFFFFFFFE, s1  }
0xa7: {  	p0 =	sne.s32 s1, s6  }
0xa8: {  	s6 =	sshll.u32 @p0 s6, $0xE  }
0xa9: {  	s6 =	sadd.s32 @p0 $0x11B8D, s6;
	s7 =	sshll.u32 @p0 s5, $0x11  }
0xaa: {  	s6 =	sor.u32 @p0 s7, s6  }
0xab: {  	[sflag:s6] =	ssyncadd.remote.s32 @p0 $0x1;
	_ =	sdelay $0x1  }
0xac: {  	s6 =	simm.s32 @p0 $0x1B8D  }
0xad: {  	_ =	swait.eq @p0 [sflag:s6], $0x1  }
0xae: {  	[sflag:s6] =	ssyncadd.s32 @p0 $0xFFFFFFFF  }
0xaf: {  	s7 =	sshll.u32 @!p0 s1, $0xE  }
0xb0: {  	s7 =	sor.u32 @!p0 $0x4000, s7;
	s6 =	simm.s32 @!p0 $0x1B8D  }
0xb1: {  	s5 =	sshll.u32 @!p0 s5, $0x11;
	s7 =	sadd.s32 @!p0 $0x11B8D, s7;
	_ =	swait.eq @!p0 [sflag:s6], $0x1  }
0xb2: {  	s5 =	sor.u32 @!p0 s5, s7;
	[sflag:s6] =	ssyncadd.s32 @!p0 $0xFFFFFFFF  }
0xb3: {  	s25 =	simm.s32 $0x1B8E;
	s24 =	sld [smem:$0x3FFE];
	[sflag:s5] =	ssyncadd.remote.s32 @!p0 $0x1  }
0xb4: {  	s26 =	simm.s32 $execute0_lowered;
	[smem:$0x3FD2] =	sst s25  }
0xb5: {  	s6 =	sshll.u32 s26, $0x1;
	_ =	strace $0x80000049;
	[dreg:$0x1] =	wrdreg $0xFFFFFFFF  }
0xb6: {  	s28 =	simm.s32 $_size_execute0_lowered;
	s4 =	sadd.s32 s4, s6;
	[dreg:$0x0] =	wrdreg $0x0  }
0xb7: {  	s6 =	sshll.u32 s28, $0x1;
	[dreg:$0x2] =	wrdreg s4  }
0xb8: {  	[dreg:$0x3] =	wrdreg s6  }
0xb9: {  	[dreg:$0x4] =	wrdreg $0xC0  }
0xba: {  	_ =	task [dreg:s22], $0x5FFFF  }
0xbb: {  	[dreg:$0x1] =	wrdreg $0xFFFFFFFF  }
0xbc: {  	[dreg:$0x0] =	wrdreg $0x60  }
0xbd: {  	[dreg:$0x2] =	wrdreg s24  }
0xbe: {  	[dreg:$0x3] =	wrdreg s18  }
0xbf: {  	[dreg:$0x4] =	wrdreg $0x9  }
0xc0: {  	_ =	task.clear_ibuf [dreg:s22], $0x5FFFF;
	_ =	strace $0x90000049  }
0xc1: {  	s29 =	simm.s32 $0x9;
	_ =	strace $0x8000004B  }
0xc2: {  	_ =	swait.ge [sflag:s29], $0x1  }
0xc3: {  	[sflag:s29] =	ssyncadd.s32 $0xFFFFFFFF  }
0xc4: {  	_ =	strace $0x9000004B  }
0xc5: {  	_ =	sfence  }
0xc6: {  	s30 =	sld [smem:$0x0];
	_ =	sdelay $0x2  }
0xc7: {  	s31 =	sshll.u32 s1, $0xD;
	s1 =	sshrl.u32 s1, $0x2  }
0xc8: {  	s4 =	sand.u32 $0x4000, s31;
	s1 =	sadd.s32 s1, s30  }
0xc9: {  	s0 =	sor.u32 s4, s0;
	s1 =	sshll.u32 s1, $0x11  }
0xca: {  	s0 =	sor.u32 s1, s0  }
0xcb: {  	s0 =	sadd.s32 $0x8F2B, s0  }
0xcc: {  	[sflag:s0] =	ssyncadd.remote.s32 $0x1  }
0xcd: {  	_ =	sfence.sel $0xFFFF  }
0xce: {  	[dreg:$0x0] =	wrdreg $0xFFFFFFFF;
	(pc) =	sbr.abs _section_cstart, $3  }
0xcf: {  	[dreg:$0x1] =	wrdreg $0xFFFFFFFF  }
0xd0: {  	_ =	task.clear_ibuf [dreg:s22], $0x2FFFF;
	_ =	strace $0x9FFFFFFF  }
0xd1: {  	(tm) =	ssettm $0x7FFFFFFF  }
tec
execute0_lowered:
.L_overlay_start_1:
0x0: {  	(tag) =	ssettag $0x1  }
0x1: {  	s4 =	rddreg [dreg:$0x0]  }
0x2: {  	s5 =	rddreg [dreg:$0x1]  }
0x3: {  	s3 =	srdreg.scid;
	s2 =	simm.s32 $0x0;
	s1 =	stileid.u32  }
0x4: {  	s9 =	simm.s32 $0x200;
	s10 =	simm.s32 $0x3;
	s11 =	simm.s32 $0x0  }
0x5: {  	s6 =	sand.u32 $0x1, s3;
	[smem:$0x7FF] =	sst s2;
	s30 =	sshll.u32 s1, $0xA  }
0x6: {  	s3 =	sadd.s32 $0x148D200, s4;
	s7 =	sshll.u32 s6, $0x9;
	s6 =	ssub.s32 $0x2, s6  }
0x7: {  	_ =	strace $0x8000004A;
	s7 =	sor.u32 s7, s30;
	s31 =	sshrl.u32 s6, $0x1  }
0x8: {  	s8 =	sshll.u32 s7, $0x4;
	s7 =	sshrl.u32 s7, $0x3;
	s6 =	ssub.s32 s6, s31  }
0x9: {  	s8 =	sadd.s32 s8, s4;
	s4 =	sadd.s32 s5, s7;
	s6 =	smax.u32 s6, $0x1  }
0xa: {  	s7 =	simm.s32 $0x1;
	s5 =	sadd.s32 $0x23CF600, s8;
	s8 =	simm.s32 $0x2  }
.LBB2_1:
0xb: {  	[tilespmem:s2], [sflag:$0x1] =	stream.linear.gather [hbm4b:s4+s2], $0x200, $0x38;
	[tilespmem:$0x10200] =	vst v63  }
0xc: {  	_ =	swait.ge [sflag:s7], $0x200  }
0xd: {  	[sflag:s7] =	ssyncset.done $0x0  }
0xe: {  	[sflag:s7] =	ssyncadd.s32 $0xFFFFFE00  }
0xf: {  	v0 =	vld [tilespmem:s2+$0x0];
	_ =	sdelay $0x4  }
0x10: {  	v0 =	vshll.u32 v0, $0x4  }
0x11: {  	(v2sf) =	vpush v0, $0x0  }
0x12: {  	(v2sf) =	vpush v0, $0x1  }
0x13: {  	(v2sf) =	vpush v0, $0x2;
	_ =	sdelay $0x1  }
0x14: {  	(v2sf) =	vpush v0, $0x4;
	_ =	sdelay $0x1  }
0x15: {  	(v2sf) =	vpush v0, $0x3  }
0x16: {  	(v2sf) =	vpush v0, $0x5  }
0x17: {  	s13 =	simm.s32 $0x2000;
	s12 =	simm.s32 $0x0;
	s14 =	simm.s32 $0x0;
	(v2sf) =	vpush v0, $0x6  }
.LBB2_2:
0x18: {  	p0 =	sne.s32 s13, $0x3E000  }
0x19: {  	s24 =	sadd.s32 $0x280, s12;
	s18 =	sadd.s32 $0x780, s12;
	s15 =	smov.u32 s13  }
0x1a: {  	s13 =	sadd.s32 $0x2000, s13;
	s21 =	sadd.s32 $0x580, s12;
	s16 =	sadd.s32 $0x800, s12;
	(v2sf) =	vpush v0, $0x7  }
0x1b: {  	s23 =	sadd.s32 $0x480, s12;
	s20 =	sadd.s32 $0x600, s12;
	s17 =	sadd.s32 $0x880, s12  }
0x1c: {  	s25 =	sadd.s32 $0x200, s12;
	s26 =	sadd.s32 $0x400, s12;
	(v2sf) =	vpush v0, $0x8  }
0x1d: {  	s28 =	sadd.s32 $0x500, s12;
	s14 =	sadd.s32 $0x10, s14  }
0x1e: {  	s29 =	sadd.s32 $0x300, s12;
	s19 =	sadd.s32 $0x700, s12;
	s22 =	spop (v2sf);
	(v2sf) =	vpush v0, $0x9  }
0x1f: {  	s30 =	sand.u32 $0x1FFFFFF0, s22;
	s22 =	sadd.s32 $0x680, s12;
	s31 =	spop (v2sf)  }
0x20: {  	s30 =	sadd.s32 s3, s30;
	s31 =	sand.u32 $0x1FFFFFF0, s31;
	s0 =	spop (v2sf);
	(v2sf) =	vpush v0, $0xA  }
0x21: {  	[tilespmem:s25], [sflag:$0x2] =	stream.linear.gather [hbm4b:s30+s2], $0x80, $0x38;
	[tilespmem:$0x10200] =	vst v63  }
0x22: {  	s25 =	sadd.s32 s3, s31;
	s30 =	sadd.s32 $0x380, s12;
	s31 =	spop (v2sf);
	(v2sf) =	vpush v0, $0xB  }
0x23: {  	[tilespmem:s24], [sflag:$0x2] =	stream.linear.gather [hbm4b:s25+s2], $0x80, $0x38;
	[tilespmem:$0x10200] =	vst v63  }
0x24: {  	s0 =	sand.u32 $0x1FFFFFF0, s0;
	s24 =	sand.u32 $0x1FFFFFF0, s31;
	s25 =	spop (v2sf);
	(v2sf) =	vpush v0, $0xC  }
0x25: {  	s0 =	sadd.s32 s3, s0;
	s25 =	sand.u32 $0x1FFFFFF0, s25;
	s31 =	spop (v2sf)  }
0x26: {  	[tilespmem:s29], [sflag:$0x2] =	stream.linear.gather [hbm4b:s0+s2], $0x80, $0x38;
	(v2sf) =	vpush v0, $0xD;
	[tilespmem:$0x10200] =	vst v63  }
0x27: {  	s0 =	sadd.s32 s3, s25;
	s25 =	sand.u32 $0x1FFFFFF0, s31;
	s29 =	spop (v2sf)  }
0x28: {  	[tilespmem:s30], [sflag:$0x2] =	stream.linear.gather [hbm4b:s0+s2], $0x80, $0x38;
	(v2sf) =	vpush v0, $0xE;
	[tilespmem:$0x10200] =	vst v63  }
0x29: {  	s0 =	sadd.s32 s3, s24;
	s24 =	sand.u32 $0x1FFFFFF0, s29;
	s29 =	spop (v2sf)  }
0x2a: {  	[tilespmem:s26], [sflag:$0x2] =	stream.linear.gather [hbm4b:s0+s2], $0x80, $0x38;
	(v2sf) =	vpush v0, $0xF;
	[tilespmem:$0x10200] =	vst v63  }
0x2b: {  	s0 =	sadd.s32 s3, s25;
	s25 =	sand.u32 $0x1FFFFFF0, s29;
	s26 =	spop (v2sf)  }
0x2c: {  	[tilespmem:s23], [sflag:$0x2] =	stream.linear.gather [hbm4b:s0+s2], $0x80, $0x38;
	[tilespmem:$0x10200] =	vst v63  }
0x2d: {  	s0 =	sadd.s32 s3, s24;
	s23 =	sand.u32 $0x1FFFFFF0, s26;
	s24 =	spop (v2sf)  }
0x2e: {  	[tilespmem:s28], [sflag:$0x2] =	stream.linear.gather [hbm4b:s0+s2], $0x80, $0x38;
	[tilespmem:$0x10200] =	vst v63  }
0x2f: {  	s0 =	sadd.s32 s3, s25;
	s24 =	sand.u32 $0x1FFFFFF0, s24;
	s25 =	spop (v2sf)  }
0x30: {  	[tilespmem:s21], [sflag:$0x2] =	stream.linear.gather [hbm4b:s0+s2], $0x80, $0x38;
	[tilespmem:$0x10200] =	vst v63  }
0x31: {  	s0 =	sadd.s32 s3, s23;
	s21 =	sand.u32 $0x1FFFFFF0, s25;
	s23 =	spop (v2sf)  }
0x32: {  	[tilespmem:s20], [sflag:$0x2] =	stream.linear.gather [hbm4b:s0+s2], $0x80, $0x38;
	[tilespmem:$0x10200] =	vst v63  }
0x33: {  	s0 =	sadd.s32 s3, s24;
	s20 =	sand.u32 $0x1FFFFFF0, s23;
	s23 =	spop (v2sf)  }
0x34: {  	[tilespmem:s22], [sflag:$0x2] =	stream.linear.gather [hbm4b:s0+s2], $0x80, $0x38;
	[tilespmem:$0x10200] =	vst v63  }
0x35: {  	s0 =	sadd.s32 s3, s21;
	s21 =	sand.u32 $0x1FFFFFF0, s23;
	s22 =	spop (v2sf)  }
0x36: {  	[tilespmem:s19], [sflag:$0x2] =	stream.linear.gather [hbm4b:s0+s2], $0x80, $0x38;
	[tilespmem:$0x10200] =	vst v63  }
0x37: {  	s0 =	sadd.s32 s3, s20;
	s19 =	sand.u32 $0x1FFFFFF0, s22;
	s20 =	spop (v2sf)  }
0x38: {  	[tilespmem:s18], [sflag:$0x2] =	stream.linear.gather [hbm4b:s0+s2], $0x80, $0x38;
	[tilespmem:$0x10200] =	vst v63  }
0x39: {  	s0 =	sadd.s32 s3, s21;
	s18 =	sand.u32 $0x1FFFFFF0, s20;
	s20 =	spop (v2sf)  }
0x3a: {  	[tilespmem:s16], [sflag:$0x2] =	stream.linear.gather [hbm4b:s0+s2], $0x80, $0x38;
	[tilespmem:$0x10200] =	vst v63  }
0x3b: {  	s0 =	sadd.s32 s3, s19;
	s16 =	sand.u32 $0x1FFFFFF0, s20  }
0x3c: {  	[tilespmem:s17], [sflag:$0x2] =	stream.linear.gather [hbm4b:s0+s2], $0x80, $0x38;
	[tilespmem:$0x10200] =	vst v63  }
0x3d: {  	s0 =	sadd.s32 $0x900, s12;
	s17 =	sadd.s32 s3, s18  }
0x3e: {  	[tilespmem:s0], [sflag:$0x2] =	stream.linear.gather [hbm4b:s17+s2], $0x80, $0x38;
	[tilespmem:$0x10200] =	vst v63  }
0x3f: {  	s0 =	sadd.s32 $0x980, s12;
	s12 =	sadd.s32 s3, s16  }
0x40: {  	[tilespmem:s0], [sflag:$0x2] =	stream.linear.gather [hbm4b:s12+s2], $0x80, $0x38;
	[tilespmem:$0x10200] =	vst v63  }
0x41: {  	v0 =	vld [tilespmem:s14+$0x0];
	_ =	sdelay $0x4  }
0x42: {  	v0 =	vshll.u32 v0, $0x4  }
0x43: {  	(v2sf) =	vpush v0, $0x0  }
0x44: {  	(v2sf) =	vpush v0, $0x1  }
0x45: {  	(v2sf) =	vpush v0, $0x2;
	_ =	sdelay $0x1  }
0x46: {  	(v2sf) =	vpush v0, $0x4  }
.Ltmp0:
0x47: {  	(pc) =	sbr.rel @p0 .LBB2_2-.Ltmp0, $3  }
0x48: {  	(v2sf) =	vpush v0, $0x3  }
0x49: {  	(v2sf) =	vpush v0, $0x5;
	_ =	sdelay $0x1  }
0x4a: {  	s12 =	sshra.s32 s15, $0x2;
	(v2sf) =	vpush v0, $0x6  }
0x4b: {  	_ =	sdelay $0x1  }
0x4c: {  	s0 =	sadd.s32 $0x280, s12;
	s15 =	sadd.s32 $0x780, s12  }
0x4d: {  	s16 =	sadd.s32 $0x580, s12;
	s13 =	sadd.s32 $0x800, s12;
	(v2sf) =	vpush v0, $0x7;
	s17 =	sadd.s32 $0x480, s12  }
0x4e: {  	s18 =	sadd.s32 $0x600, s12;
	s14 =	sadd.s32 $0x880, s12;
	s19 =	sadd.s32 $0x200, s12  }
0x4f: {  	s20 =	sadd.s32 $0x400, s12;
	s21 =	sadd.s32 $0x500, s12;
	(v2sf) =	vpush v0, $0x8;
	s22 =	spop (v2sf)  }
0x50: {  	s23 =	sadd.s32 $0x300, s12;
	s22 =	sand.u32 $0x1FFFFFF0, s22;
	s24 =	spop (v2sf)  }
0x51: {  	(v2sf) =	vpush v0, $0x9;
	s22 =	sadd.s32 s3, s22;
	s24 =	sand.u32 $0x1FFFFFF0, s24;
	s25 =	spop (v2sf)  }
0x52: {  	[tilespmem:s19], [sflag:$0x2] =	stream.linear.gather [hbm4b:s22+s2], $0x80, $0x38;
	[tilespmem:$0x10200] =	vst v63  }
0x53: {  	(v2sf) =	vpush v0, $0xA;
	s26 =	sadd.s32 s3, s24;
	s29 =	sand.u32 $0x1FFFFFF0, s25;
	s28 =	spop (v2sf)  }
0x54: {  	[tilespmem:s0], [sflag:$0x2] =	stream.linear.gather [hbm4b:s26+s2], $0x80, $0x38;
	[tilespmem:$0x10200] =	vst v63  }
0x55: {  	s19 =	sadd.s32 $0x700, s12;
	(v2sf) =	vpush v0, $0xB;
	s22 =	sadd.s32 s3, s29;
	s30 =	spop (v2sf)  }
0x56: {  	s0 =	sadd.s32 $0x680, s12;
	s26 =	sadd.s32 $0x380, s12;
	s25 =	sand.u32 $0x1FFFFFF0, s30  }
0x57: {  	(v2sf) =	vpush v0, $0xC;
	[tilespmem:s23], [sflag:$0x2] =	stream.linear.gather [hbm4b:s22+s2], $0x80, $0x38;
	[tilespmem:$0x10200] =	vst v63  }
0x58: {  	s31 =	sand.u32 $0x1FFFFFF0, s28;
	s28 =	spop (v2sf);
	s29 =	sadd.s32 s3, s25  }
0x59: {  	(v2sf) =	vpush v0, $0xD;
	[tilespmem:s26], [sflag:$0x2] =	stream.linear.gather [hbm4b:s29+s2], $0x80, $0x38;
	[tilespmem:$0x10200] =	vst v63  }
0x5a: {  	s22 =	sadd.s32 s3, s31;
	s23 =	sand.u32 $0x1FFFFFF0, s28;
	s30 =	spop (v2sf)  }
0x5b: {  	(v2sf) =	vpush v0, $0xE;
	[tilespmem:s20], [sflag:$0x2] =	stream.linear.gather [hbm4b:s22+s2], $0x80, $0x38;
	[tilespmem:$0x10200] =	vst v63  }
0x5c: {  	s23 =	sadd.s32 s3, s23;
	s31 =	sand.u32 $0x1FFFFFF0, s30;
	s24 =	spop (v2sf)  }
0x5d: {  	(v2sf) =	vpush v0, $0xF;
	[tilespmem:s17], [sflag:$0x2] =	stream.linear.gather [hbm4b:s23+s2], $0x80, $0x38;
	[tilespmem:$0x10200] =	vst v63  }
0x5e: {  	s25 =	sand.u32 $0x1FFFFFF0, s24;
	s26 =	spop (v2sf);
	s20 =	sadd.s32 s3, s31  }
0x5f: {  	[tilespmem:s21], [sflag:$0x2] =	stream.linear.gather [hbm4b:s20+s2], $0x80, $0x38;
	[tilespmem:$0x10200] =	vst v63  }
0x60: {  	s28 =	sand.u32 $0x1FFFFFF0, s26;
	s17 =	sadd.s32 s3, s25;
	s29 =	spop (v2sf)  }
0x61: {  	[tilespmem:s16], [sflag:$0x2] =	stream.linear.gather [hbm4b:s17+s2], $0x80, $0x38;
	[tilespmem:$0x10200] =	vst v63  }
0x62: {  	s20 =	sadd.s32 s3, s28;
	s30 =	sand.u32 $0x1FFFFFF0, s29;
	s31 =	spop (v2sf)  }
0x63: {  	[tilespmem:s18], [sflag:$0x2] =	stream.linear.gather [hbm4b:s20+s2], $0x80, $0x38;
	[tilespmem:$0x10200] =	vst v63  }
0x64: {  	s17 =	sand.u32 $0x1FFFFFF0, s31;
	s16 =	sadd.s32 s3, s30;
	s20 =	spop (v2sf)  }
0x65: {  	[tilespmem:s0], [sflag:$0x2] =	stream.linear.gather [hbm4b:s16+s2], $0x80, $0x38;
	[tilespmem:$0x10200] =	vst v63  }
0x66: {  	s17 =	sadd.s32 s3, s17;
	s21 =	sand.u32 $0x1FFFFFF0, s20;
	s22 =	spop (v2sf)  }
0x67: {  	[tilespmem:s19], [sflag:$0x2] =	stream.linear.gather [hbm4b:s17+s2], $0x80, $0x38;
	[tilespmem:$0x10200] =	vst v63  }
0x68: {  	s0 =	sadd.s32 s3, s21;
	s16 =	sand.u32 $0x1FFFFFF0, s22;
	s23 =	spop (v2sf)  }
0x69: {  	[tilespmem:s15], [sflag:$0x2] =	stream.linear.gather [hbm4b:s0+s2], $0x80, $0x38;
	[tilespmem:$0x10200] =	vst v63  }
0x6a: {  	s24 =	sand.u32 $0x1FFFFFF0, s23;
	s16 =	sadd.s32 s3, s16;
	s25 =	spop (v2sf)  }
0x6b: {  	[tilespmem:s13], [sflag:$0x2] =	stream.linear.gather [hbm4b:s16+s2], $0x80, $0x38;
	[tilespmem:$0x10200] =	vst v63  }
0x6c: {  	s26 =	sand.u32 $0x1FFFFFF0, s25;
	s28 =	spop (v2sf);
	s0 =	sadd.s32 s3, s24  }
0x6d: {  	[tilespmem:s14], [sflag:$0x2] =	stream.linear.gather [hbm4b:s0+s2], $0x80, $0x38;
	[tilespmem:$0x10200] =	vst v63  }
0x6e: {  	s30 =	sadd.s32 $0x900, s12;
	s29 =	sand.u32 $0x1FFFFFF0, s28;
	s13 =	sadd.s32 s3, s26  }
0x6f: {  	[tilespmem:s30], [sflag:$0x2] =	stream.linear.gather [hbm4b:s13+s2], $0x80, $0x38;
	[tilespmem:$0x10200] =	vst v63  }
0x70: {  	s31 =	sadd.s32 $0x980, s12;
	s0 =	sadd.s32 s3, s29  }
0x71: {  	[tilespmem:s31], [sflag:$0x2] =	stream.linear.gather [hbm4b:s0+s2], $0x80, $0x38;
	[tilespmem:$0x10200] =	vst v63  }
0x72: {  	s11 =	sadd.s32 $0x1, s11;
	_ =	swait.ge [sflag:s8], $0x10000  }
0x73: {  	p0 =	sne.s32 s11, s6;
	[sflag:s8] =	ssyncset.done $0x0  }
.Ltmp1:
0x74: {  	[sflag:s8] =	ssyncadd.s32 $0xFFFF0000;
	(pc) =	sbr.rel @p0 .LBB2_1-.Ltmp1, $4  }
0x75: {  	[hbm4b:s5+s2] =	stream.linear.scatter [tilespmem:s9], [sflag:$0x3], $0x10000, $0x38;
	[tilespmem:$0x10200] =	vst v63  }
0x76: {  	_ =	swait.ge [sflag:s10], $0x10000  }
0x77: {  	[sflag:s10] =	ssyncset.done $0x0  }
0x78: {  	[sflag:s10] =	ssyncadd.s32 $0xFFFF0000  }
0x79: {  	_ =	sfence.sel $0x180000  }
0x7a: {  	[bflag:$0x0] =	sbarrier.arrive $0xFFFF  }
0x7b: {  	_ =	strace $0x9000004A  }
0x7c: {  	[bflag:$0x2] =	sbarrier.arrive $0xFFFF  }
0x7d: {  	p0 =	sne.s32 s1, $0x0;
	s0 =	rddreg [dreg:$0x2]  }
0x7e: {  	s0 =	sadd.s32 @!p0 $0x100000, s0  }
0x7f: {  	[sflag:s0] =	ssyncadd.tile.s32 @!p0 $0x1;
	_ =	shalt  }
.Lfunc_end2:
_tile_overlayer_lowered:
.L_overlay_start_2:
0x80: {  	(tag) =	ssettag $0x2  }
0x81: {  	s0 =	rddreg [dreg:$0x0];
	s2 =	stileid.u32  }
0x82: {  	s1 =	rddreg [dreg:$0x1];
	p0 =	sne.s32 s2, $0x0  }
0x83: {  	s3 =	rddreg [dreg:$0x2];
	[bflag:$0x3] =	sbarrier.arrive $0xFFFF;
	s2 =	simm.s32 @!p0 $0x1C03  }
0x84: {  	[timem:s3], [sflag:s2] =	dma.local @!p0 [hbm:s0], s1  }
0x85: {  	s0 =	simm.s32 @!p0 $0x3  }
0x86: {  	_ =	swait.ge @!p0 [sflag:s0], s1  }
0x87: {  	s1 =	ssub.s32 @!p0 $0x0, s1;
	[sflag:s0] =	ssyncset.done @!p0 $0x0  }
0x88: {  	[sflag:s0] =	ssyncadd.s32 @!p0 s1  }
0x89: {  	[bflag:$0x3] =	sbarrier.arrive $0xFFFF  }
0x8a: {  	_ =	shalt  }

// kernel: kernel.8.cloned.1.call-start
scs
__scs_entry_jumppad:
0x0: {  	(pc) =	sbr.rel $0x88, $3  }
0x1: {  	(tag) =	ssettag $0x0;
	lr =	simm.s32 $0x1  }
0x2: {  	[smem:$0x3F9C] =	sst lr;
	_ =	strace $0xD0000000  }
0x3: {  	_ = 	snop  }
0x4: {  	_ = 	snop  }
0x5: {  	_ = 	snop  }
0x6: {  	_ = 	snop  }
0x7: {  	_ = 	snop  }
__scs_overlays_trampoline_lowered:
0x8: {  	[smem:$0x3FAB] =	sst s0  }
0x9: {  	[smem:$0x3FAC] =	sst s1  }
0xa: {  	[smem:$0x3FAD] =	sst s2  }
0xb: {  	[smem:$0x3FAE] =	sst s3  }
0xc: {  	[smem:$0x3FAF] =	sst s4  }
0xd: {  	[smem:$0x3FB0] =	sst s5  }
0xe: {  	[smem:$0x3FB1] =	sst s6  }
0xf: {  	[smem:$0x3FB2] =	sst s7  }
0x10: {  	[smem:$0x3FB3] =	sst s8  }
0x11: {  	[smem:$0x3FB4] =	sst s9;
	s0 =	simm.s32 @!p0 $0x0  }
0x12: {  	s1 =	sld [smem:$0x3F9A];
	s0 =	simm.s32 @p0 $0x1  }
0x13: {  	[smem:$0x3FB5] =	sst s0;
	s0 =	simm.s32 @!p1 $0x0  }
0x14: {  	s2 =	sld [smem:$0x3F99];
	s0 =	simm.s32 @p1 $0x1  }
0x15: {  	[smem:$0x3FB6] =	sst s0;
	s0 =	simm.s32 @!p2 $0x0  }
0x16: {  	s3 =	sld [smem:$0x3FDB];
	s0 =	simm.s32 @p2 $0x1  }
0x17: {  	s4 =	simm.s32 $0x1BF5;
	[smem:$0x3FB8] =	sst s0  }
0x18: {  	s0 =	sld [smem:$0x3F9B];
	_ =	swait.ge [sflag:s4], $0x0  }
0x19: {  	s7 =	sld [smem:$0x3F9C]  }
0x1a: {  	s8 =	sadd.s32 $0xFFFFE003, lr  }
0x1b: {  	s9 =	sadd.s32 $0xFFFFFEF7, lr;
	s5 =	simm.s32 $0xFFFFFFFF;
	p2 =	slt.u32 s8, $0xFFFFF086  }
0x1c: {  	p1 =	slt.u32 s9, $0xF7A;
	s5 =	simm.s32 @!p2 $0x0  }
0x1d: {  	s5 =	simm.s32 @p1 $0x1;
	p0 =	seq.s32 s7, s2  }
0x1e: {  	s7 =	smul.u32 @!p0 $0xF7A, s2;
	p2 =	seq.s32 @!p0 s5, $0x0  }
0x1f: {  	s9 =	smul.u32 $0xF7A, s1;
	s8 =	simm.s32 @!p0 $0x1BF5;
	p2 =	por !p2, p0  }
0x20: {  	[sflag:s8] =	ssyncset.s32 @!p0 $0xFFFFF086;
	s6 =	sadd.s32 @!p0 s3, s7;
	s7 =	simm.s32 @!p0 $0x108  }
0x21: {  	s3 =	sadd.s32 s3, s9;
	s6 =	sadd.s32 @!p0 $0x88, s6;
	s7 =	simm.s32 @p2 $0x1082  }
0x22: {  	[simem:s7], [sflag:s8] =	dma.local @!p0 [hbm:s6], $0xF7A  }
0x23: {  	s9 =	sor.u32 $0xD0000000, s2;
	s6 =	simm.s32 $0x108;
	_ =	swait.ge @!p0 [sflag:s8], $0x0  }
0x24: {  	s3 =	sadd.s32 $0x88, s3;
	s6 =	simm.s32 @!p1 $0x1082;
	[sflag:s4] =	ssyncset.s32 $0xFFFFF086  }
0x25: {  	[simem:s6], [sflag:s4] =	dma.local [hbm:s3], $0xF7A  }
0x26: {  	[smem:$0x3F9C] =	sst s1;
	(tag) =	ssettag s2;
	_ =	strace s9  }
0x27: {  	s1 =	sld [smem:$0x3FAC]  }
0x28: {  	s2 =	sld [smem:$0x3FAD]  }
0x29: {  	s4 =	sld [smem:$0x3FAF]  }
0x2a: {  	p0 =	seq.s32 s5, $0x0;
	s5 =	sld [smem:$0x3FB0]  }
0x2b: {  	s6 =	sld [smem:$0x3FB1]  }
0x2c: {  	s7 =	sld [smem:$0x3FB2]  }
0x2d: {  	s3 =	simm.s32 $0x108;
	s8 =	sld [smem:$0x3FB3]  }
0x2e: {  	s3 =	simm.s32 @!p0 $0x1082;
	s9 =	sld [smem:$0x3FB4]  }
0x2f: {  	lr =	sadd.s32 s0, s3;
	s0 =	sld [smem:$0x3FAB]  }
0x30: {  	s3 =	sld [smem:$0x3FAE]  }
0x31: {  	[smem:$0x3FB7] =	sst s10  }
0x32: {  	s10 =	sld [smem:$0x3FB5];
	_ =	sdelay $0x3  }
0x33: {  	p0 =	seq.s32 s10, $0x1;
	s10 =	sld [smem:$0x3FB7];
	_ =	sdelay $0x3  }
0x34: {  	[smem:$0x3FB7] =	sst s10  }
0x35: {  	s10 =	sld [smem:$0x3FB6];
	_ =	sdelay $0x3  }
0x36: {  	p1 =	seq.s32 s10, $0x1;
	s10 =	sld [smem:$0x3FB7];
	_ =	sdelay $0x3  }
0x37: {  	[smem:$0x3FB7] =	sst s10  }
0x38: {  	s10 =	sld [smem:$0x3FB8]  }
0x39: {  	_ = 	snop;
	(pc) =	sbr.ind lr, $3  }
0x3a: {  	_ = 	snop  }
0x3b: {  	_ = 	snop  }
0x3c: {  	p2 =	seq.s32 s10, $0x1;
	s10 =	sld [smem:$0x3FB7]  }
0x3d: {  	_ =	shalt  }
0x3e: {  	_ =	shalt  }
0x3f: {  	_ =	shalt  }
0x40: {  	_ =	shalt  }
0x41: {  	_ =	shalt  }
0x42: {  	_ =	shalt  }
0x43: {  	_ =	shalt  }
0x44: {  	_ =	shalt  }
0x45: {  	_ =	shalt  }
0x46: {  	_ =	shalt  }
0x47: {  	_ =	shalt  }
0x48: {  	_ =	shalt  }
0x49: {  	_ =	shalt  }
0x4a: {  	_ =	shalt  }
0x4b: {  	_ =	shalt  }
0x4c: {  	_ =	shalt  }
0x4d: {  	_ =	shalt  }
0x4e: {  	_ =	shalt  }
0x4f: {  	_ =	shalt  }
0x50: {  	_ =	shalt  }
0x51: {  	_ =	shalt  }
0x52: {  	_ =	shalt  }
0x53: {  	_ =	shalt  }
0x54: {  	_ =	shalt  }
0x55: {  	_ =	shalt  }
0x56: {  	_ =	shalt  }
0x57: {  	_ =	shalt  }
0x58: {  	_ =	shalt  }
0x59: {  	_ =	shalt  }
0x5a: {  	_ =	shalt  }
0x5b: {  	_ =	shalt  }
0x5c: {  	_ =	shalt  }
0x5d: {  	_ =	shalt  }
0x5e: {  	_ =	shalt  }
0x5f: {  	_ =	shalt  }
0x60: {  	_ =	shalt  }
0x61: {  	_ =	shalt  }
0x62: {  	_ =	shalt  }
0x63: {  	_ =	shalt  }
0x64: {  	_ =	shalt  }
0x65: {  	_ =	shalt  }
0x66: {  	_ =	shalt  }
0x67: {  	_ =	shalt  }
0x68: {  	_ =	shalt  }
0x69: {  	_ =	shalt  }
0x6a: {  	_ =	shalt  }
0x6b: {  	_ =	shalt  }
0x6c: {  	_ =	shalt  }
0x6d: {  	_ =	shalt  }
0x6e: {  	_ =	shalt  }
0x6f: {  	_ =	shalt  }
0x70: {  	_ =	shalt  }
0x71: {  	_ =	shalt  }
0x72: {  	_ =	shalt  }
0x73: {  	_ =	shalt  }
0x74: {  	_ =	shalt  }
0x75: {  	_ =	shalt  }
0x76: {  	_ =	shalt  }
0x77: {  	_ =	shalt  }
0x78: {  	_ =	shalt  }
0x79: {  	_ =	shalt  }
0x7a: {  	_ =	shalt  }
0x7b: {  	_ =	shalt  }
0x7c: {  	_ =	shalt  }
0x7d: {  	_ =	shalt  }
0x7e: {  	_ =	shalt  }
0x7f: {  	_ =	shalt  }
0x80: {  	_ =	shalt  }
0x81: {  	_ =	shalt  }
0x82: {  	_ =	shalt  }
0x83: {  	_ =	shalt  }
0x84: {  	_ =	shalt  }
0x85: {  	_ =	shalt  }
0x86: {  	_ =	shalt  }
0x87: {  	_ =	shalt  }
.Lfunc_end0:
.L_simem_size_0:
called_computation.1_lowered:
.L_overlay_start_0:
0x88: {  	s2 =	sld [smem:$0x3FD9]  }
0x89: {  	s3 =	sld [smem:$0x3FFE];
	_ =	sdelay $0x1  }
0x8a: {  	s1 =	srdreg.scid  }
0x8b: {  	s0 =	sand.u32 $0x1, s1  }
0x8c: {  	s17 =	sshll.u32 s0, $0xA;
	s2 =	sadd.s32 s3, s2  }
0x8d: {  	s2 =	sadd.s32 s2, s17  }
0x8e: {  	[smem:$0x3FC3] =	sst s2  }
0x8f: {  	_ = 	snop  }
0x90: {  	s2 =	sld [smem:$0x3FC6];
	(tm) =	ssettm $0x1  }
0x91: {  	s18 =	sld [smem:$0x3FFB];
	_ =	sdelay $0x3  }
0x92: {  	_ =	strace s18  }
0x93: {  	s3 =	sld [smem:$0x3FFC];
	_ =	sdelay $0x3  }
0x94: {  	_ =	strace s3  }
0x95: {  	s3 =	sld [smem:$0x3FFD];
	_ =	sdelay $0x3  }
0x96: {  	_ =	strace s3  }
0x97: {  	_ =	strace $0x8FFFFFFF  }
0x98: {  	s19 =	sld [smem:$0x3FDB];
	_ =	sdelay $0x1  }
0x99: {  	s4 =	simm.s32 $_scs_section_size  }
0x9a: {  	s5 =	simm.s32 $_size__tile_overlayer_lowered;
	s6 =	simm.s32 $_tile_overlayer_lowered  }
0x9b: {  	s22 =	simm.s32 $0x1BFF;
	s21 =	sshll.u32 s6, $0x1;
	s3 =	sadd.s32 s4, s19  }
0x9c: {  	s7 =	simm.s32 $0x0;
	s20 =	sshll.u32 s5, $0x1;
	s5 =	sadd.s32 s21, s3  }
0x9d: {  	[timem:s7], [sflag:s22] =	dma.local [hbm:s5], s20  }
0x9e: {  	_ =	swait.ge [sflag:s22], s20  }
0x9f: {  	s4 =	ssub.s32 $0x0, s20;
	[sflag:s22] =	ssyncset.done $0x0  }
0xa0: {  	[sflag:s22] =	ssyncadd.s32 s4;
	_ =	sdelay $0x1  }
0xa1: {  	s23 =	simm.s32 $0x1B8B  }
0xa2: {  	_ =	swait.ge [sflag:s23], $0x1  }
0xa3: {  	[sflag:s23] =	ssyncset.done $0x0  }
0xa4: {  	s25 =	simm.s32 $0x1B8E;
	s24 =	sld [smem:$0x3FFE];
	[sflag:s23] =	ssyncadd.s32 $0xFFFFFFFF  }
0xa5: {  	s26 =	simm.s32 $execute0_lowered;
	[smem:$0x3FD2] =	sst s25  }
0xa6: {  	s5 =	sshll.u32 s26, $0x1;
	_ =	strace $0x80000046;
	[dreg:$0x1] =	wrdreg $0xFFFFFFFF  }
0xa7: {  	s28 =	simm.s32 $_size_execute0_lowered;
	s3 =	sadd.s32 s3, s5;
	[dreg:$0x0] =	wrdreg $0x0  }
0xa8: {  	s5 =	sshll.u32 s28, $0x1;
	[dreg:$0x2] =	wrdreg s3  }
0xa9: {  	[dreg:$0x3] =	wrdreg s5  }
0xaa: {  	[dreg:$0x4] =	wrdreg $0xC0  }
0xab: {  	_ =	task [dreg:s7], $0x5FFFF  }
0xac: {  	[dreg:$0x1] =	wrdreg $0xFFFFFFFF  }
0xad: {  	[dreg:$0x0] =	wrdreg $0x60  }
0xae: {  	[dreg:$0x2] =	wrdreg s24  }
0xaf: {  	[dreg:$0x3] =	wrdreg s2  }
0xb0: {  	[dreg:$0x4] =	wrdreg $0xA  }
0xb1: {  	_ =	task.clear_ibuf [dreg:s7], $0x5FFFF;
	_ =	strace $0x90000046  }
0xb2: {  	s29 =	simm.s32 $0xA;
	_ =	strace $0x80000048  }
0xb3: {  	_ =	swait.ge [sflag:s29], $0x1  }
0xb4: {  	[sflag:s29] =	ssyncadd.s32 $0xFFFFFFFF  }
0xb5: {  	_ =	strace $0x90000048  }
0xb6: {  	_ =	sfence  }
0xb7: {  	s30 =	sld [smem:$0x0];
	_ =	sdelay $0x2  }
0xb8: {  	s31 =	sshll.u32 s1, $0xD;
	s1 =	sshrl.u32 s1, $0x2  }
0xb9: {  	s3 =	sand.u32 $0x4000, s31;
	s1 =	sadd.s32 s1, s30  }
0xba: {  	s0 =	sor.u32 s3, s0;
	s1 =	sshll.u32 s1, $0x11  }
0xbb: {  	s0 =	sor.u32 s1, s0  }
0xbc: {  	s0 =	sadd.s32 $0x8F2B, s0  }
0xbd: {  	[sflag:s0] =	ssyncadd.remote.s32 $0x1  }
0xbe: {  	_ =	sfence.sel $0xFFFF  }
0xbf: {  	[dreg:$0x0] =	wrdreg $0xFFFFFFFF;
	(pc) =	sbr.abs _section_cstart, $3  }
0xc0: {  	[dreg:$0x1] =	wrdreg $0xFFFFFFFF  }
0xc1: {  	_ =	task.clear_ibuf [dreg:s7], $0x2FFFF;
	_ =	strace $0x9FFFFFFF  }
0xc2: {  	(tm) =	ssettm $0x7FFFFFFF  }
0xc3: {  	_ =	shalt  }
tec
execute0_lowered:
.L_overlay_start_1:
0x0: {  	(tag) =	ssettag $0x1  }
0x1: {  	s7 =	rddreg [dreg:$0x0]  }
0x2: {  	s5 =	rddreg [dreg:$0x1];
	s2 =	simm.s32 $0x0  }
0x3: {  	s6 =	srdreg.scid;
	s30 =	stileid.u32;
	s12 =	simm.s32 $0x2  }
0x4: {  	s13 =	simm.s32 $0x3;
	s1 =	simm.s32 $0x0;
	[smem:$0x7FF] =	sst s2  }
0x5: {  	s4 =	sadd.s32 $0xE00, s7;
	s0 =	sadd.s32 $0xF43200, s7;
	s8 =	sand.u32 $0x1, s6  }
0x6: {  	s6 =	sadd.s32 $0xF4D200, s7;
	s10 =	sshll.u32 s30, $0x1;
	s9 =	ssub.s32 $0x2, s8  }
0x7: {  	s7 =	sadd.s32 $0xF8D200, s7;
	_ =	strace $0x80000047;
	s11 =	sshrl.u32 s9, $0x1  }
0x8: {  	[dreg:$0x3] =	wrdreg s0;
	s10 =	sor.u32 s8, s10;
	s11 =	ssub.s32 s9, s11  }
0x9: {  	[dreg:$0x4] =	wrdreg s6;
	s8 =	sshll.u32 s10, $0x9;
	s31 =	smax.u32 s11, $0x1  }
0xa: {  	s9 =	smul.u32 $0x2800, s10;
	s11 =	simm.s32 $0x1;
	[dreg:$0x5] =	wrdreg s31  }
.LBB2_1:
0xb: {  	[dreg:$0x6] =	wrdreg s1;
	p1 =	por $0x1, $0x1;
	s17 =	simm.s32 $0x0  }
.LBB2_2:
0xc: {  	s16 =	sor.u32 s8, s17  }
0xd: {  	s17 =	sshrl.u32 s16, $0x3  }
0xe: {  	s18 =	simm.s32 $0x0;
	s17 =	sadd.s32 s5, s17  }
0xf: {  	[tilespmem:s18], [sflag:$0x1] =	stream.linear.gather [hbm4b:s17+s18], $0x100, $0x38;
	[tilespmem:$0x8100] =	vst v63  }
0x10: {  	_ =	swait.ge [sflag:s11], $0x100  }
0x11: {  	[sflag:s11] =	ssyncset.done $0x0  }
0x12: {  	[sflag:s11] =	ssyncadd.s32 $0xFFFFFF00  }
0x13: {  	v0 =	vld [tilespmem:s18+$0x0];
	_ =	sdelay $0x4  }
0x14: {  	v0 =	vshll.u32 v0, $0x4  }
0x15: {  	(v2sf) =	vpush v0, $0x0  }
0x16: {  	(v2sf) =	vpush v0, $0x1  }
0x17: {  	(v2sf) =	vpush v0, $0x2;
	_ =	sdelay $0x1  }
0x18: {  	(v2sf) =	vpush v0, $0x4;
	_ =	sdelay $0x1  }
0x19: {  	(v2sf) =	vpush v0, $0x3  }
0x1a: {  	(v2sf) =	vpush v0, $0x5  }
0x1b: {  	p0 =	por p1, p1;
	s19 =	simm.s32 $0x2000;
	s17 =	simm.s32 $0x0;
	(v2sf) =	vpush v0, $0x6  }
.LBB2_3:
0x1c: {  	p1 =	sne.s32 s19, $0x1E000  }
0x1d: {  	s30 =	sadd.s32 $0x180, s17;
	s23 =	sadd.s32 $0x680, s17;
	s20 =	smov.u32 s19  }
0x1e: {  	s19 =	sadd.s32 $0x2000, s19;
	s26 =	sadd.s32 $0x480, s17;
	s21 =	sadd.s32 $0x700, s17;
	(v2sf) =	vpush v0, $0x7  }
0x1f: {  	s29 =	sadd.s32 $0x380, s17;
	s25 =	sadd.s32 $0x500, s17;
	s22 =	sadd.s32 $0x780, s17  }
0x20: {  	s31 =	sadd.s32 $0x100, s17;
	s0 =	sadd.s32 $0x300, s17;
	(v2sf) =	vpush v0, $0x8  }
0x21: {  	s3 =	sadd.s32 $0x400, s17;
	s18 =	sadd.s32 $0x10, s18  }
0x22: {  	s10 =	sadd.s32 $0x200, s17;
	s24 =	sadd.s32 $0x600, s17;
	s28 =	spop (v2sf);
	(v2sf) =	vpush v0, $0x9  }
0x23: {  	s15 =	sand.u32 $0x1FFFFFF0, s28;
	s28 =	sadd.s32 $0x580, s17;
	s1 =	spop (v2sf)  }
0x24: {  	s15 =	sadd.s32 s4, s15;
	s1 =	sand.u32 $0x1FFFFFF0, s1;
	s14 =	spop (v2sf);
	(v2sf) =	vpush v0, $0xA  }
0x25: {  	[tilespmem:s31], [sflag:$0x2] =	stream.linear.gather [hbm4b:s15+s2], $0x80, $0x38;
	[tilespmem:$0x8100] =	vst v63  }
0x26: {  	s1 =	sadd.s32 s4, s1;
	s15 =	sadd.s32 $0x280, s17;
	s31 =	spop (v2sf);
	(v2sf) =	vpush v0, $0xB  }
0x27: {  	[tilespmem:s30], [sflag:$0x2] =	stream.linear.gather [hbm4b:s1+s2], $0x80, $0x38;
	[tilespmem:$0x8100] =	vst v63  }
0x28: {  	s1 =	sand.u32 $0x1FFFFFF0, s14;
	s14 =	sand.u32 $0x1FFFFFF0, s31;
	s30 =	spop (v2sf);
	(v2sf) =	vpush v0, $0xC  }
0x29: {  	s1 =	sadd.s32 s4, s1;
	s30 =	sand.u32 $0x1FFFFFF0, s30;
	s31 =	spop (v2sf)  }
0x2a: {  	[tilespmem:s10], [sflag:$0x2] =	stream.linear.gather [hbm4b:s1+s2], $0x80, $0x38;
	(v2sf) =	vpush v0, $0xD;
	[tilespmem:$0x8100] =	vst v63  }
0x2b: {  	s1 =	sadd.s32 s4, s30;
	s10 =	sand.u32 $0x1FFFFFF0, s31;
	s30 =	spop (v2sf)  }
0x2c: {  	[tilespmem:s15], [sflag:$0x2] =	stream.linear.gather [hbm4b:s1+s2], $0x80, $0x38;
	(v2sf) =	vpush v0, $0xE;
	[tilespmem:$0x8100] =	vst v63  }
0x2d: {  	s1 =	sadd.s32 s4, s14;
	s14 =	sand.u32 $0x1FFFFFF0, s30;
	s15 =	spop (v2sf)  }
0x2e: {  	[tilespmem:s0], [sflag:$0x2] =	stream.linear.gather [hbm4b:s1+s2], $0x80, $0x38;
	(v2sf) =	vpush v0, $0xF;
	[tilespmem:$0x8100] =	vst v63  }
0x2f: {  	s0 =	sadd.s32 s4, s10;
	s1 =	sand.u32 $0x1FFFFFF0, s15;
	s10 =	spop (v2sf)  }
0x30: {  	[tilespmem:s29], [sflag:$0x2] =	stream.linear.gather [hbm4b:s0+s2], $0x80, $0x38;
	[tilespmem:$0x8100] =	vst v63  }
0x31: {  	s0 =	sadd.s32 s4, s14;
	s10 =	sand.u32 $0x1FFFFFF0, s10;
	s14 =	spop (v2sf)  }
0x32: {  	[tilespmem:s3], [sflag:$0x2] =	stream.linear.gather [hbm4b:s0+s2], $0x80, $0x38;
	[tilespmem:$0x8100] =	vst v63  }
0x33: {  	s0 =	sadd.s32 s4, s1;
	s1 =	sand.u32 $0x1FFFFFF0, s14;
	s3 =	spop (v2sf)  }
0x34: {  	[tilespmem:s26], [sflag:$0x2] =	stream.linear.gather [hbm4b:s0+s2], $0x80, $0x38;
	[tilespmem:$0x8100] =	vst v63  }
0x35: {  	s0 =	sadd.s32 s4, s10;
	s3 =	sand.u32 $0x1FFFFFF0, s3;
	s10 =	spop (v2sf)  }
0x36: {  	[tilespmem:s25], [sflag:$0x2] =	stream.linear.gather [hbm4b:s0+s2], $0x80, $0x38;
	[tilespmem:$0x8100] =	vst v63  }
0x37: {  	s0 =	sadd.s32 s4, s1;
	s1 =	sand.u32 $0x1FFFFFF0, s10;
	s10 =	spop (v2sf)  }
0x38: {  	[tilespmem:s28], [sflag:$0x2] =	stream.linear.gather [hbm4b:s0+s2], $0x80, $0x38;
	[tilespmem:$0x8100] =	vst v63  }
0x39: {  	s0 =	sadd.s32 s4, s3;
	s3 =	sand.u32 $0x1FFFFFF0, s10;
	s10 =	spop (v2sf)  }
0x3a: {  	[tilespmem:s24], [sflag:$0x2] =	stream.linear.gather [hbm4b:s0+s2], $0x80, $0x38;
	[tilespmem:$0x8100] =	vst v63  }
0x3b: {  	s0 =	sadd.s32 s4, s1;
	s1 =	sand.u32 $0x1FFFFFF0, s10;
	s10 =	spop (v2sf)  }
0x3c: {  	[tilespmem:s23], [sflag:$0x2] =	stream.linear.gather [hbm4b:s0+s2], $0x80, $0x38;
	[tilespmem:$0x8100] =	vst v63  }
0x3d: {  	s0 =	sadd.s32 s4, s3;
	s3 =	sand.u32 $0x1FFFFFF0, s10;
	s10 =	spop (v2sf)  }
0x3e: {  	[tilespmem:s21], [sflag:$0x2] =	stream.linear.gather [hbm4b:s0+s2], $0x80, $0x38;
	[tilespmem:$0x8100] =	vst v63  }
0x3f: {  	s0 =	sadd.s32 s4, s1;
	s1 =	sand.u32 $0x1FFFFFF0, s10  }
0x40: {  	[tilespmem:s22], [sflag:$0x2] =	stream.linear.gather [hbm4b:s0+s2], $0x80, $0x38;
	[tilespmem:$0x8100] =	vst v63  }
0x41: {  	s3 =	sadd.s32 s4, s3;
	s0 =	sadd.s32 $0x800, s17  }
0x42: {  	[tilespmem:s0], [sflag:$0x2] =	stream.linear.gather [hbm4b:s3+s2], $0x80, $0x38;
	[tilespmem:$0x8100] =	vst v63  }
0x43: {  	s1 =	sadd.s32 s4, s1;
	s0 =	sadd.s32 $0x880, s17  }
0x44: {  	[tilespmem:s0], [sflag:$0x2] =	stream.linear.gather [hbm4b:s1+s2], $0x80, $0x38;
	[tilespmem:$0x8100] =	vst v63  }
0x45: {  	v0 =	vld [tilespmem:s18+$0x0];
	_ =	sdelay $0x4  }
0x46: {  	v0 =	vshll.u32 v0, $0x4  }
0x47: {  	(v2sf) =	vpush v0, $0x0  }
0x48: {  	(v2sf) =	vpush v0, $0x1  }
0x49: {  	(v2sf) =	vpush v0, $0x2;
	_ =	sdelay $0x1  }
0x4a: {  	(v2sf) =	vpush v0, $0x4  }
.Ltmp0:
0x4b: {  	(pc) =	sbr.rel @p1 .LBB2_3-.Ltmp0, $3  }
0x4c: {  	(v2sf) =	vpush v0, $0x3  }
0x4d: {  	(v2sf) =	vpush v0, $0x5;
	_ =	sdelay $0x1  }
0x4e: {  	s17 =	sshra.s32 s20, $0x2;
	(v2sf) =	vpush v0, $0x6  }
0x4f: {  	_ =	sdelay $0x1  }
0x50: {  	s0 =	sadd.s32 $0x180, s17;
	s20 =	sadd.s32 $0x680, s17  }
0x51: {  	s1 =	sadd.s32 $0x480, s17;
	s18 =	sadd.s32 $0x700, s17;
	(v2sf) =	vpush v0, $0x7;
	s3 =	sadd.s32 $0x380, s17  }
0x52: {  	s10 =	sadd.s32 $0x500, s17;
	s19 =	sadd.s32 $0x780, s17;
	s14 =	sadd.s32 $0x100, s17  }
0x53: {  	s15 =	sadd.s32 $0x300, s17;
	s21 =	sadd.s32 $0x400, s17;
	(v2sf) =	vpush v0, $0x8;
	s22 =	spop (v2sf)  }
0x54: {  	s23 =	sadd.s32 $0x200, s17;
	s22 =	sand.u32 $0x1FFFFFF0, s22;
	s24 =	spop (v2sf)  }
0x55: {  	(v2sf) =	vpush v0, $0x9;
	s22 =	sadd.s32 s4, s22;
	s24 =	sand.u32 $0x1FFFFFF0, s24;
	s25 =	spop (v2sf)  }
0x56: {  	[tilespmem:s14], [sflag:$0x2] =	stream.linear.gather [hbm4b:s22+s2], $0x80, $0x38;
	[tilespmem:$0x8100] =	vst v63  }
0x57: {  	s26 =	sadd.s32 $0x280, s17;
	(v2sf) =	vpush v0, $0xA;
	s30 =	sadd.s32 s4, s24;
	s31 =	spop (v2sf)  }
0x58: {  	[tilespmem:s0], [sflag:$0x2] =	stream.linear.gather [hbm4b:s30+s2], $0x80, $0x38;
	[tilespmem:$0x8100] =	vst v63  }
0x59: {  	s14 =	sadd.s32 $0x600, s17;
	s28 =	sand.u32 $0x1FFFFFF0, s25;
	(v2sf) =	vpush v0, $0xB;
	s29 =	spop (v2sf)  }
0x5a: {  	s22 =	sadd.s32 s4, s28;
	s0 =	sadd.s32 $0x580, s17;
	s25 =	sand.u32 $0x1FFFFFF0, s29  }
0x5b: {  	(v2sf) =	vpush v0, $0xC;
	[tilespmem:s23], [sflag:$0x2] =	stream.linear.gather [hbm4b:s22+s2], $0x80, $0x38;
	[tilespmem:$0x8100] =	vst v63  }
0x5c: {  	s30 =	sand.u32 $0x1FFFFFF0, s31;
	s31 =	spop (v2sf);
	s28 =	sadd.s32 s4, s25  }
0x5d: {  	(v2sf) =	vpush v0, $0xD;
	[tilespmem:s26], [sflag:$0x2] =	stream.linear.gather [hbm4b:s28+s2], $0x80, $0x38;
	[tilespmem:$0x8100] =	vst v63  }
0x5e: {  	s22 =	sadd.s32 s4, s30;
	s23 =	sand.u32 $0x1FFFFFF0, s31;
	s29 =	spop (v2sf)  }
0x5f: {  	(v2sf) =	vpush v0, $0xE;
	[tilespmem:s15], [sflag:$0x2] =	stream.linear.gather [hbm4b:s22+s2], $0x80, $0x38;
	[tilespmem:$0x8100] =	vst v63  }
0x60: {  	s23 =	sadd.s32 s4, s23;
	s30 =	sand.u32 $0x1FFFFFF0, s29;
	s31 =	spop (v2sf)  }
0x61: {  	(v2sf) =	vpush v0, $0xF;
	[tilespmem:s3], [sflag:$0x2] =	stream.linear.gather [hbm4b:s23+s2], $0x80, $0x38;
	[tilespmem:$0x8100] =	vst v63  }
0x62: {  	s24 =	sand.u32 $0x1FFFFFF0, s31;
	s25 =	spop (v2sf);
	s15 =	sadd.s32 s4, s30  }
0x63: {  	[tilespmem:s21], [sflag:$0x2] =	stream.linear.gather [hbm4b:s15+s2], $0x80, $0x38;
	[tilespmem:$0x8100] =	vst v63  }
0x64: {  	s26 =	sand.u32 $0x1FFFFFF0, s25;
	s3 =	sadd.s32 s4, s24;
	s28 =	spop (v2sf)  }
0x65: {  	[tilespmem:s1], [sflag:$0x2] =	stream.linear.gather [hbm4b:s3+s2], $0x80, $0x38;
	[tilespmem:$0x8100] =	vst v63  }
0x66: {  	s15 =	sadd.s32 s4, s26;
	s29 =	sand.u32 $0x1FFFFFF0, s28;
	s30 =	spop (v2sf)  }
0x67: {  	[tilespmem:s10], [sflag:$0x2] =	stream.linear.gather [hbm4b:s15+s2], $0x80, $0x38;
	[tilespmem:$0x8100] =	vst v63  }
0x68: {  	s3 =	sand.u32 $0x1FFFFFF0, s30;
	s1 =	sadd.s32 s4, s29;
	s31 =	spop (v2sf)  }
0x69: {  	[tilespmem:s0], [sflag:$0x2] =	stream.linear.gather [hbm4b:s1+s2], $0x80, $0x38;
	[tilespmem:$0x8100] =	vst v63  }
0x6a: {  	s3 =	sadd.s32 s4, s3;
	s15 =	sand.u32 $0x1FFFFFF0, s31;
	s21 =	spop (v2sf)  }
0x6b: {  	[tilespmem:s14], [sflag:$0x2] =	stream.linear.gather [hbm4b:s3+s2], $0x80, $0x38;
	[tilespmem:$0x8100] =	vst v63  }
0x6c: {  	s0 =	sadd.s32 s4, s15;
	s1 =	sand.u32 $0x1FFFFFF0, s21;
	s22 =	spop (v2sf)  }
0x6d: {  	[tilespmem:s20], [sflag:$0x2] =	stream.linear.gather [hbm4b:s0+s2], $0x80, $0x38;
	[tilespmem:$0x8100] =	vst v63  }
0x6e: {  	s23 =	sand.u32 $0x1FFFFFF0, s22;
	s1 =	sadd.s32 s4, s1;
	s24 =	spop (v2sf)  }
0x6f: {  	[tilespmem:s18], [sflag:$0x2] =	stream.linear.gather [hbm4b:s1+s2], $0x80, $0x38;
	[tilespmem:$0x8100] =	vst v63  }
0x70: {  	s25 =	sand.u32 $0x1FFFFFF0, s24;
	s26 =	spop (v2sf);
	s0 =	sadd.s32 s4, s23  }
0x71: {  	[tilespmem:s19], [sflag:$0x2] =	stream.linear.gather [hbm4b:s0+s2], $0x80, $0x38;
	[tilespmem:$0x8100] =	vst v63  }
0x72: {  	s29 =	sadd.s32 $0x800, s17;
	s28 =	sand.u32 $0x1FFFFFF0, s26;
	s1 =	sadd.s32 s4, s25  }
0x73: {  	[tilespmem:s29], [sflag:$0x2] =	stream.linear.gather [hbm4b:s1+s2], $0x80, $0x38;
	[tilespmem:$0x8100] =	vst v63  }
0x74: {  	s30 =	sadd.s32 $0x880, s17;
	s0 =	sadd.s32 s4, s28  }
0x75: {  	[tilespmem:s30], [sflag:$0x2] =	stream.linear.gather [hbm4b:s0+s2], $0x80, $0x38;
	[tilespmem:$0x8100] =	vst v63  }
0x76: {  	s17 =	simm.s32 $0x100;
	_ =	swait.ge [sflag:s12], $0x8000  }
0x77: {  	s31 =	sshll.u32 s16, $0x4;
	s16 =	simm.s32 $0x0;
	[sflag:s12] =	ssyncset.done $0x0  }
.Ltmp1:
0x78: {  	s0 =	sadd.s32 s6, s31;
	[sflag:s12] =	ssyncadd.s32 $0xFFFF8000;
	(pc) =	sbr.rel @p0 .LBB2_2-.Ltmp1, $4  }
0x79: {  	[hbm4b:s0+s16] =	stream.linear.scatter [tilespmem:s17], [sflag:$0x3], $0x8000, $0x38;
	[tilespmem:$0x8100] =	vst v63  }
0x7a: {  	_ =	swait.ge [sflag:s13], $0x8000  }
0x7b: {  	[sflag:s13] =	ssyncset.done $0x0  }
0x7c: {  	p1 =	por $0x0, $0x0;
	[sflag:s13] =	ssyncadd.s32 $0xFFFF8000  }
0x7d: {  	s17 =	simm.s32 $0x0  }
.LBB2_6:
0x7e: {  	s0 =	sshll.u32 s17, $0x8  }
0x7f: {  	s18 =	sadd.s32 s9, s0  }
0x80: {  	s1 =	rddreg [dreg:$0x3];
	s0 =	sshrl.u32 s18, $0x3  }
0x81: {  	s0 =	sadd.s32 s1, s0  }
0x82: {  	[tilespmem:s16], [sflag:$0x1] =	stream.linear.gather [hbm4b:s0+s16], $0x100, $0x38;
	[tilespmem:$0x8100] =	vst v63  }
0x83: {  	_ =	swait.ge [sflag:s11], $0x100  }
0x84: {  	[sflag:s11] =	ssyncset.done $0x0  }
0x85: {  	[sflag:s11] =	ssyncadd.s32 $0xFFFFFF00  }
0x86: {  	v0 =	vld [tilespmem:s16+$0x0];
	_ =	sdelay $0x4  }
0x87: {  	v0 =	vshll.u32 v0, $0x4  }
0x88: {  	(v2sf) =	vpush v0, $0x0  }
0x89: {  	(v2sf) =	vpush v0, $0x1  }
0x8a: {  	(v2sf) =	vpush v0, $0x2;
	_ =	sdelay $0x1  }
0x8b: {  	(v2sf) =	vpush v0, $0x4;
	_ =	sdelay $0x1  }
0x8c: {  	(v2sf) =	vpush v0, $0x3  }
0x8d: {  	(v2sf) =	vpush v0, $0x5  }
0x8e: {  	s20 =	simm.s32 $0x2000;
	s19 =	simm.s32 $0x0;
	s21 =	simm.s32 $0x0;
	(v2sf) =	vpush v0, $0x6  }
.LBB2_7:
0x8f: {  	p0 =	sne.s32 s20, $0x1E000  }
0x90: {  	s0 =	sadd.s32 $0x180, s19;
	s25 =	sadd.s32 $0x680, s19;
	s22 =	smov.u32 s20  }
0x91: {  	s20 =	sadd.s32 $0x2000, s20;
	s29 =	sadd.s32 $0x480, s19;
	s23 =	sadd.s32 $0x700, s19;
	(v2sf) =	vpush v0, $0x7  }
0x92: {  	s31 =	sadd.s32 $0x380, s19;
	s28 =	sadd.s32 $0x500, s19;
	s24 =	sadd.s32 $0x780, s19  }
0x93: {  	s1 =	sadd.s32 $0x100, s19;
	s3 =	sadd.s32 $0x300, s19;
	(v2sf) =	vpush v0, $0x8  }
0x94: {  	s10 =	sadd.s32 $0x400, s19;
	s21 =	sadd.s32 $0x10, s21  }
0x95: {  	s14 =	sadd.s32 $0x200, s19;
	s26 =	sadd.s32 $0x600, s19;
	s15 =	spop (v2sf);
	(v2sf) =	vpush v0, $0x9  }
0x96: {  	s30 =	sadd.s32 $0x580, s19;
	s15 =	sand.u32 $0x1FFFFFF0, s15;
	s5 =	spop (v2sf)  }
0x97: {  	s15 =	sadd.s32 s4, s15;
	s5 =	sand.u32 $0x1FFFFFF0, s5;
	s6 =	spop (v2sf);
	(v2sf) =	vpush v0, $0xA  }
0x98: {  	[tilespmem:s1], [sflag:$0x2] =	stream.linear.gather [hbm4b:s15+s2], $0x80, $0x38;
	[tilespmem:$0x8100] =	vst v63  }
0x99: {  	s1 =	sadd.s32 s4, s5;
	s5 =	sadd.s32 $0x280, s19;
	s15 =	spop (v2sf);
	(v2sf) =	vpush v0, $0xB  }
0x9a: {  	[tilespmem:s0], [sflag:$0x2] =	stream.linear.gather [hbm4b:s1+s2], $0x80, $0x38;
	[tilespmem:$0x8100] =	vst v63  }
0x9b: {  	s0 =	sand.u32 $0x1FFFFFF0, s6;
	s1 =	sand.u32 $0x1FFFFFF0, s15;
	s6 =	spop (v2sf);
	(v2sf) =	vpush v0, $0xC  }
0x9c: {  	s0 =	sadd.s32 s4, s0;
	s6 =	sand.u32 $0x1FFFFFF0, s6;
	s15 =	spop (v2sf)  }
0x9d: {  	[tilespmem:s14], [sflag:$0x2] =	stream.linear.gather [hbm4b:s0+s2], $0x80, $0x38;
	(v2sf) =	vpush v0, $0xD;
	[tilespmem:$0x8100] =	vst v63  }
0x9e: {  	s0 =	sadd.s32 s4, s6;
	s6 =	sand.u32 $0x1FFFFFF0, s15;
	s14 =	spop (v2sf)  }
0x9f: {  	[tilespmem:s5], [sflag:$0x2] =	stream.linear.gather [hbm4b:s0+s2], $0x80, $0x38;
	(v2sf) =	vpush v0, $0xE;
	[tilespmem:$0x8100] =	vst v63  }
0xa0: {  	s0 =	sadd.s32 s4, s1;
	s1 =	sand.u32 $0x1FFFFFF0, s14;
	s5 =	spop (v2sf)  }
0xa1: {  	[tilespmem:s3], [sflag:$0x2] =	stream.linear.gather [hbm4b:s0+s2], $0x80, $0x38;
	(v2sf) =	vpush v0, $0xF;
	[tilespmem:$0x8100] =	vst v63  }
0xa2: {  	s0 =	sadd.s32 s4, s6;
	s3 =	sand.u32 $0x1FFFFFF0, s5;
	s5 =	spop (v2sf)  }
0xa3: {  	[tilespmem:s31], [sflag:$0x2] =	stream.linear.gather [hbm4b:s0+s2], $0x80, $0x38;
	[tilespmem:$0x8100] =	vst v63  }
0xa4: {  	s0 =	sadd.s32 s4, s1;
	s1 =	sand.u32 $0x1FFFFFF0, s5;
	s5 =	spop (v2sf)  }
0xa5: {  	[tilespmem:s10], [sflag:$0x2] =	stream.linear.gather [hbm4b:s0+s2], $0x80, $0x38;
	[tilespmem:$0x8100] =	vst v63  }
0xa6: {  	s0 =	sadd.s32 s4, s3;
	s3 =	sand.u32 $0x1FFFFFF0, s5;
	s5 =	spop (v2sf)  }
0xa7: {  	[tilespmem:s29], [sflag:$0x2] =	stream.linear.gather [hbm4b:s0+s2], $0x80, $0x38;
	[tilespmem:$0x8100] =	vst v63  }
0xa8: {  	s0 =	sadd.s32 s4, s1;
	s1 =	sand.u32 $0x1FFFFFF0, s5;
	s5 =	spop (v2sf)  }
0xa9: {  	[tilespmem:s28], [sflag:$0x2] =	stream.linear.gather [hbm4b:s0+s2], $0x80, $0x38;
	[tilespmem:$0x8100] =	vst v63  }
0xaa: {  	s0 =	sadd.s32 s4, s3;
	s3 =	sand.u32 $0x1FFFFFF0, s5;
	s5 =	spop (v2sf)  }
0xab: {  	[tilespmem:s30], [sflag:$0x2] =	stream.linear.gather [hbm4b:s0+s2], $0x80, $0x38;
	[tilespmem:$0x8100] =	vst v63  }
0xac: {  	s0 =	sadd.s32 s4, s1;
	s1 =	sand.u32 $0x1FFFFFF0, s5;
	s5 =	spop (v2sf)  }
0xad: {  	[tilespmem:s26], [sflag:$0x2] =	stream.linear.gather [hbm4b:s0+s2], $0x80, $0x38;
	[tilespmem:$0x8100] =	vst v63  }
0xae: {  	s0 =	sadd.s32 s4, s3;
	s3 =	sand.u32 $0x1FFFFFF0, s5;
	s5 =	spop (v2sf)  }
0xaf: {  	[tilespmem:s25], [sflag:$0x2] =	stream.linear.gather [hbm4b:s0+s2], $0x80, $0x38;
	[tilespmem:$0x8100] =	vst v63  }
0xb0: {  	s0 =	sadd.s32 s4, s1;
	s1 =	sand.u32 $0x1FFFFFF0, s5;
	s5 =	spop (v2sf)  }
0xb1: {  	[tilespmem:s23], [sflag:$0x2] =	stream.linear.gather [hbm4b:s0+s2], $0x80, $0x38;
	[tilespmem:$0x8100] =	vst v63  }
0xb2: {  	s0 =	sadd.s32 s4, s3;
	s3 =	sand.u32 $0x1FFFFFF0, s5  }
0xb3: {  	[tilespmem:s24], [sflag:$0x2] =	stream.linear.gather [hbm4b:s0+s2], $0x80, $0x38;
	[tilespmem:$0x8100] =	vst v63  }
0xb4: {  	s1 =	sadd.s32 s4, s1;
	s0 =	sadd.s32 $0x800, s19  }
0xb5: {  	[tilespmem:s0], [sflag:$0x2] =	stream.linear.gather [hbm4b:s1+s2], $0x80, $0x38;
	[tilespmem:$0x8100] =	vst v63  }
0xb6: {  	s0 =	sadd.s32 $0x880, s19;
	s1 =	sadd.s32 s4, s3  }
0xb7: {  	[tilespmem:s0], [sflag:$0x2] =	stream.linear.gather [hbm4b:s1+s2], $0x80, $0x38;
	[tilespmem:$0x8100] =	vst v63  }
0xb8: {  	v0 =	vld [tilespmem:s21+$0x0];
	_ =	sdelay $0x4  }
0xb9: {  	v0 =	vshll.u32 v0, $0x4  }
0xba: {  	(v2sf) =	vpush v0, $0x0  }
0xbb: {  	(v2sf) =	vpush v0, $0x1  }
0xbc: {  	(v2sf) =	vpush v0, $0x2;
	_ =	sdelay $0x1  }
0xbd: {  	(v2sf) =	vpush v0, $0x4  }
.Ltmp2:
0xbe: {  	(pc) =	sbr.rel @p0 .LBB2_7-.Ltmp2, $3  }
0xbf: {  	(v2sf) =	vpush v0, $0x3  }
0xc0: {  	(v2sf) =	vpush v0, $0x5;
	_ =	sdelay $0x1  }
0xc1: {  	s19 =	sshra.s32 s22, $0x2;
	(v2sf) =	vpush v0, $0x6  }
0xc2: {  	_ =	sdelay $0x1  }
0xc3: {  	s0 =	sadd.s32 $0x180, s19;
	s22 =	sadd.s32 $0x680, s19  }
0xc4: {  	s1 =	sadd.s32 $0x480, s19;
	s20 =	sadd.s32 $0x700, s19;
	(v2sf) =	vpush v0, $0x7;
	s3 =	sadd.s32 $0x380, s19  }
0xc5: {  	s5 =	sadd.s32 $0x500, s19;
	s21 =	sadd.s32 $0x780, s19;
	s6 =	sadd.s32 $0x100, s19  }
0xc6: {  	s10 =	sadd.s32 $0x300, s19;
	s14 =	sadd.s32 $0x400, s19;
	(v2sf) =	vpush v0, $0x8;
	s15 =	spop (v2sf)  }
0xc7: {  	s23 =	sadd.s32 $0x200, s19;
	s15 =	sand.u32 $0x1FFFFFF0, s15;
	s24 =	spop (v2sf)  }
0xc8: {  	(v2sf) =	vpush v0, $0x9;
	s15 =	sadd.s32 s4, s15;
	s24 =	sand.u32 $0x1FFFFFF0, s24;
	s25 =	spop (v2sf)  }
0xc9: {  	[tilespmem:s6], [sflag:$0x2] =	stream.linear.gather [hbm4b:s15+s2], $0x80, $0x38;
	[tilespmem:$0x8100] =	vst v63  }
0xca: {  	s26 =	sadd.s32 $0x280, s19;
	(v2sf) =	vpush v0, $0xA;
	s30 =	sadd.s32 s4, s24;
	s31 =	spop (v2sf)  }
0xcb: {  	[tilespmem:s0], [sflag:$0x2] =	stream.linear.gather [hbm4b:s30+s2], $0x80, $0x38;
	[tilespmem:$0x8100] =	vst v63  }
0xcc: {  	s6 =	sadd.s32 $0x600, s19;
	s28 =	sand.u32 $0x1FFFFFF0, s25;
	(v2sf) =	vpush v0, $0xB;
	s29 =	spop (v2sf)  }
0xcd: {  	s15 =	sadd.s32 s4, s28;
	s0 =	sadd.s32 $0x580, s19;
	s25 =	sand.u32 $0x1FFFFFF0, s29  }
0xce: {  	(v2sf) =	vpush v0, $0xC;
	[tilespmem:s23], [sflag:$0x2] =	stream.linear.gather [hbm4b:s15+s2], $0x80, $0x38;
	[tilespmem:$0x8100] =	vst v63  }
0xcf: {  	s30 =	sand.u32 $0x1FFFFFF0, s31;
	s31 =	spop (v2sf);
	s28 =	sadd.s32 s4, s25  }
0xd0: {  	(v2sf) =	vpush v0, $0xD;
	[tilespmem:s26], [sflag:$0x2] =	stream.linear.gather [hbm4b:s28+s2], $0x80, $0x38;
	[tilespmem:$0x8100] =	vst v63  }
0xd1: {  	s15 =	sadd.s32 s4, s30;
	s23 =	sand.u32 $0x1FFFFFF0, s31;
	s29 =	spop (v2sf)  }
0xd2: {  	(v2sf) =	vpush v0, $0xE;
	[tilespmem:s10], [sflag:$0x2] =	stream.linear.gather [hbm4b:s15+s2], $0x80, $0x38;
	[tilespmem:$0x8100] =	vst v63  }
0xd3: {  	s23 =	sadd.s32 s4, s23;
	s30 =	sand.u32 $0x1FFFFFF0, s29;
	s31 =	spop (v2sf)  }
0xd4: {  	(v2sf) =	vpush v0, $0xF;
	[tilespmem:s3], [sflag:$0x2] =	stream.linear.gather [hbm4b:s23+s2], $0x80, $0x38;
	[tilespmem:$0x8100] =	vst v63  }
0xd5: {  	s24 =	sand.u32 $0x1FFFFFF0, s31;
	s25 =	spop (v2sf);
	s10 =	sadd.s32 s4, s30  }
0xd6: {  	[tilespmem:s14], [sflag:$0x2] =	stream.linear.gather [hbm4b:s10+s2], $0x80, $0x38;
	[tilespmem:$0x8100] =	vst v63  }
0xd7: {  	s26 =	sand.u32 $0x1FFFFFF0, s25;
	s3 =	sadd.s32 s4, s24;
	s28 =	spop (v2sf)  }
0xd8: {  	[tilespmem:s1], [sflag:$0x2] =	stream.linear.gather [hbm4b:s3+s2], $0x80, $0x38;
	[tilespmem:$0x8100] =	vst v63  }
0xd9: {  	s10 =	sadd.s32 s4, s26;
	s29 =	sand.u32 $0x1FFFFFF0, s28;
	s30 =	spop (v2sf)  }
0xda: {  	[tilespmem:s5], [sflag:$0x2] =	stream.linear.gather [hbm4b:s10+s2], $0x80, $0x38;
	[tilespmem:$0x8100] =	vst v63  }
0xdb: {  	s3 =	sand.u32 $0x1FFFFFF0, s30;
	s1 =	sadd.s32 s4, s29;
	s31 =	spop (v2sf)  }
0xdc: {  	[tilespmem:s0], [sflag:$0x2] =	stream.linear.gather [hbm4b:s1+s2], $0x80, $0x38;
	[tilespmem:$0x8100] =	vst v63  }
0xdd: {  	s3 =	sadd.s32 s4, s3;
	s10 =	sand.u32 $0x1FFFFFF0, s31;
	s14 =	spop (v2sf)  }
0xde: {  	[tilespmem:s6], [sflag:$0x2] =	stream.linear.gather [hbm4b:s3+s2], $0x80, $0x38;
	[tilespmem:$0x8100] =	vst v63  }
0xdf: {  	s0 =	sadd.s32 s4, s10;
	s1 =	sand.u32 $0x1FFFFFF0, s14;
	s15 =	spop (v2sf)  }
0xe0: {  	[tilespmem:s22], [sflag:$0x2] =	stream.linear.gather [hbm4b:s0+s2], $0x80, $0x38;
	[tilespmem:$0x8100] =	vst v63  }
0xe1: {  	s1 =	sadd.s32 s4, s1;
	s23 =	spop (v2sf);
	s22 =	sand.u32 $0x1FFFFFF0, s15  }
0xe2: {  	[tilespmem:s20], [sflag:$0x2] =	stream.linear.gather [hbm4b:s1+s2], $0x80, $0x38;
	[tilespmem:$0x8100] =	vst v63  }
0xe3: {  	s24 =	sand.u32 $0x1FFFFFF0, s23;
	s25 =	spop (v2sf);
	s0 =	sadd.s32 s4, s22  }
0xe4: {  	[tilespmem:s21], [sflag:$0x2] =	stream.linear.gather [hbm4b:s0+s2], $0x80, $0x38;
	[tilespmem:$0x8100] =	vst v63  }
0xe5: {  	s28 =	sadd.s32 $0x800, s19;
	s26 =	sand.u32 $0x1FFFFFF0, s25;
	s1 =	sadd.s32 s4, s24  }
0xe6: {  	[tilespmem:s28], [sflag:$0x2] =	stream.linear.gather [hbm4b:s1+s2], $0x80, $0x38;
	[tilespmem:$0x8100] =	vst v63  }
0xe7: {  	s17 =	sadd.s32 $0x1, s17;
	s29 =	sadd.s32 $0x880, s19;
	s0 =	sadd.s32 s4, s26  }
0xe8: {  	[tilespmem:s29], [sflag:$0x2] =	stream.linear.gather [hbm4b:s0+s2], $0x80, $0x38;
	[tilespmem:$0x8100] =	vst v63  }
0xe9: {  	p0 =	sne.s32 s17, $0x28;
	_ =	swait.ge [sflag:s12], $0x8000  }
0xea: {  	s30 =	sshll.u32 s18, $0x4;
	s31 =	simm.s32 $0x100;
	[sflag:s12] =	ssyncset.done $0x0  }
.Ltmp3:
0xeb: {  	s0 =	sadd.s32 s7, s30;
	[sflag:s12] =	ssyncadd.s32 $0xFFFF8000;
	(pc) =	sbr.rel @p0 .LBB2_6-.Ltmp3, $4  }
0xec: {  	[hbm4b:s0+s2] =	stream.linear.scatter [tilespmem:s31], [sflag:$0x3], $0x8000, $0x38;
	[tilespmem:$0x8100] =	vst v63  }
0xed: {  	_ =	swait.ge [sflag:s13], $0x8000  }
0xee: {  	[sflag:s13] =	ssyncset.done $0x0  }
0xef: {  	[sflag:s13] =	ssyncadd.s32 $0xFFFF8000  }
0xf0: {  	s1 =	rddreg [dreg:$0x6]  }
0xf1: {  	s0 =	rddreg [dreg:$0x5];
	s1 =	sadd.s32 $0x1, s1  }
0xf2: {  	p0 =	sne.s32 s1, s0  }
.Ltmp4:
0xf3: {  	_ = 	snop;
	(pc) =	sbr.rel @p0 .LBB2_1-.Ltmp4, $3  }
0xf4: {  	_ =	sdelay $0x1  }
0xf5: {  	s5 =	rddreg [dreg:$0x1]  }
0xf6: {  	s6 =	rddreg [dreg:$0x4]  }
0xf7: {  	_ =	sfence.sel $0x180000  }
0xf8: {  	[bflag:$0x0] =	sbarrier.arrive $0xFFFF  }
0xf9: {  	_ =	strace $0x90000047  }
0xfa: {  	s0 =	stileid.u32;
	[bflag:$0x2] =	sbarrier.arrive $0xFFFF  }
0xfb: {  	p0 =	sne.s32 s0, $0x0;
	s0 =	rddreg [dreg:$0x2]  }
0xfc: {  	s0 =	sadd.s32 @!p0 $0x100000, s0  }
0xfd: {  	[sflag:s0] =	ssyncadd.tile.s32 @!p0 $0x1;
	_ =	shalt  }
.Lfunc_end2:
_tile_overlayer_lowered:
.L_overlay_start_2:
0xfe: {  	(tag) =	ssettag $0x2  }
0xff: {  	s0 =	rddreg [dreg:$0x0];
	s2 =	stileid.u32  }
0x100: {  	s1 =	rddreg [dreg:$0x1];
	p0 =	sne.s32 s2, $0x0  }
0x101: {  	s3 =	rddreg [dreg:$0x2];
	[bflag:$0x3] =	sbarrier.arrive $0xFFFF;
	s2 =	simm.s32 @!p0 $0x1C03  }
0x102: {  	[timem:s3], [sflag:s2] =	dma.local @!p0 [hbm:s0], s1  }
0x103: {  	s0 =	simm.s32 @!p0 $0x3  }
0x104: {  	_ =	swait.ge @!p0 [sflag:s0], s1  }
0x105: {  	s1 =	ssub.s32 @!p0 $0x0, s1;
	[sflag:s0] =	ssyncset.done @!p0 $0x0  }
0x106: {  	[sflag:s0] =	ssyncadd.s32 @!p0 s1  }
0x107: {  	[bflag:$0x3] =	sbarrier.arrive $0xFFFF  }
0x108: {  	_ =	shalt  }

</sc_bundles>
